<compile_context>
chip_gen: v7x
topology: tpu7x:2x2x1
jax: 0.10.2.dev20260603
libtpu: 0.0.44.dev20260713+nightly
codegen_flags: <defaults>
</compile_context>

<pallas_src>
import functools

import jax
import jax.numpy as jnp
from jax import lax
from jax.experimental import pallas as pl
from jax.experimental.pallas import tpu as pltpu
from jax.experimental.pallas import tpu_sc as plsc

A = 8192
P = 4096
K = 16
NPART = 16
L = 16
NC = 2
NS = 16
NW = NC * NS
APW = A // NW
BIG = 1e30


def _sc_topk(ax, ay, av, ap, px, py, lo_t, hi_t):
    mesh = plsc.VectorSubcoreMesh(
        core_axis_name="c", subcore_axis_name="s",
        num_cores=NC, num_subcores=NS)

    @functools.partial(
        pl.kernel,
        out_type=jax.ShapeDtypeStruct((2, A * K), jnp.int32),
        mesh=mesh,
        compiler_params=pltpu.CompilerParams(needs_layout_passes=False),
        scratch_types=[
            pltpu.VMEM((P + 2 * L,), jnp.float32),
            pltpu.VMEM((P + 2 * L,), jnp.float32),
            pltpu.VMEM((APW,), jnp.float32),
            pltpu.VMEM((APW,), jnp.float32),
            pltpu.VMEM((APW,), jnp.int32),
            pltpu.VMEM((APW,), jnp.int32),
            pltpu.VMEM((NPART,), jnp.int32),
            pltpu.VMEM((NPART,), jnp.int32),
            pltpu.VMEM((APW * K,), jnp.int32),
            pltpu.VMEM((APW * K,), jnp.int32),
        ],
    )
    def k(ax_h, ay_h, av_h, ap_h, px_h, py_h, lo_h, hi_h,
          out_h,
          px_v, py_v, ax_v, ay_v, av_v, ap_v, lo_v, hi_v, o0_v, o1_v):
        wid = lax.axis_index("s") * NC + lax.axis_index("c")
        base = wid * APW
        pltpu.sync_copy(px_h, px_v)
        pltpu.sync_copy(py_h, py_v)
        pltpu.sync_copy(lo_h, lo_v)
        pltpu.sync_copy(hi_h, hi_v)
        pltpu.sync_copy(ax_h.at[pl.ds(base, APW)], ax_v)
        pltpu.sync_copy(ay_h.at[pl.ds(base, APW)], ay_v)
        pltpu.sync_copy(av_h.at[pl.ds(base, APW)], av_v)
        pltpu.sync_copy(ap_h.at[pl.ds(base, APW)], ap_v)

        iota = lax.iota(jnp.int32, L)
        lo_r = lo_v[...]
        hi_r = hi_v[...]

        def _splat(vec, lane_v):
            return jnp.take_along_axis(vec, lane_v, axis=0,
                                       mode="promise_in_bounds")

        def one_chunk(j0, bd, bi, ax_b, ay_b, hi_b):
            jv = jnp.full((L,), j0, jnp.int32) + iota
            dx = px_v[pl.ds(j0, L)] - ax_b
            dy = py_v[pl.ds(j0, L)] - ay_b
            d2 = dx * dx + dy * dy
            d2 = jnp.where(jv < hi_b, d2, BIG)
            sd, si = plsc.sort_key_val(d2, jv)
            rd = lax.rev(sd, (0,))
            ri = lax.rev(si, (0,))
            keep = bd <= rd
            nd = jnp.where(keep, bd, rd)
            ni = jnp.where(keep, bi, ri)
            md, mi = plsc.sort_key_val(nd, ni)
            return md, mi

        def epilogue(a, bi, lo_b, hi_b):
            cnt_b = hi_b - lo_b
            fm = iota - cnt_b
            fi = jnp.where(fm < lo_b, fm, hi_b + (fm - lo_b))
            outi = jnp.where(iota < cnt_b, bi, fi)
            o0_v[pl.ds(a * K, K)] = outi
            o1_v[pl.ds(a * K, K)] = jnp.full((L,), base + a, jnp.int32)

        bd_init = jnp.full((L,), BIG, jnp.float32)
        bi_init = jnp.zeros((L,), jnp.int32)
        clamp = jnp.int32(P)

        NA = 4

        def quad_body(g, _):
            a0 = NA * g
            grp = a0 & jnp.int32(-L)
            l0 = a0 - grp
            axg = ax_v[pl.ds(grp, L)]
            ayg = ay_v[pl.ds(grp, L)]
            ptg = ap_v[pl.ds(grp, L)]
            avg = av_v[pl.ds(grp, L)]
            okg = avg > 0
            log = jnp.where(okg, _splat(lo_r, ptg), 0)
            hig = jnp.where(okg, _splat(hi_r, ptg), 0)
            nchg = lax.shift_right_logical(hig - log + (L - 1), 4)
            packg = jnp.left_shift(nchg, 16) | log
            lane0 = jnp.full((L,), l0, jnp.int32)
            ax_a, ay_a, lo_a, hi_a, c0_a, nch_a = [], [], [], [], [], []
            for q in range(NA):
                lane = lane0 + q
                ax_a.append(_splat(axg, lane))
                ay_a.append(_splat(ayg, lane))
                lo_a.append(_splat(log, lane))
                hi_a.append(_splat(hig, lane))
                pk = _splat(packg, lane)[0]
                c0_a.append(pk & jnp.int32(0xFFFF))
                nch_a.append(lax.shift_right_logical(pk, 16))
            n = nch_a[0]
            for q in range(1, NA):
                n = jnp.maximum(n, nch_a[q])

            def chunk(t, carry):
                out = []
                toff = t * L
                for q in range(NA):
                    bd, bi = carry[2 * q], carry[2 * q + 1]
                    j0 = jnp.minimum(c0_a[q] + toff, clamp)
                    bd, bi = one_chunk(j0, bd, bi, ax_a[q], ay_a[q], hi_a[q])
                    out.extend((bd, bi))
                return tuple(out)

            res = lax.fori_loop(0, n, chunk, (bd_init, bi_init) * NA)
            for q in range(NA):
                epilogue(a0 + q, res[2 * q + 1], lo_a[q], hi_a[q])
            return 0

        lax.fori_loop(0, APW // NA, quad_body, 0)
        pltpu.sync_copy(o0_v, out_h.at[0, pl.ds(base * K, APW * K)])
        pltpu.sync_copy(o1_v, out_h.at[1, pl.ds(base * K, APW * K)])

    return k(ax, ay, av, ap, px, py, lo_t, hi_t)


def kernel(agent_position, agent_valid, agent_partition,
           polyline_start_position, polyline_partition):
    ax = agent_position[:, 0].astype(jnp.float32)
    ay = agent_position[:, 1].astype(jnp.float32)
    av = agent_valid.astype(jnp.int32)
    ap = agent_partition.astype(jnp.int32)
    px = jnp.pad(polyline_start_position[:, 0].astype(jnp.float32), (0, 2 * L))
    py = jnp.pad(polyline_start_position[:, 1].astype(jnp.float32), (0, 2 * L))
    ids = jnp.arange(NPART, dtype=polyline_partition.dtype)
    lo_t = jnp.searchsorted(polyline_partition, ids, side="left").astype(jnp.int32)
    hi_t = jnp.searchsorted(polyline_partition, ids, side="right").astype(jnp.int32)
    return _sc_topk(ax, ay, av, ap, px, py, lo_t, hi_t)

# --- scband reference (transcript-rebuilt; emitter-appended) ---
"""Pipeline reference for scband-agent-to-polyline-spatial-edge-connector-32890859552904 (READ-ONLY COPY).

The authoritative reference and input builder live on the scoring server;
editing this copy changes nothing except your own understanding.
"""

import jax, jax.numpy as jnp
import numpy as np

A = 8192      # T*(A1+...+AN) agent-timestep rows
P = 4096      # T*(P1+...+PN) polyline rows
K = 16        # neighbors per valid agent (edge_selector k)
NPART = 16    # number of scene partitions


def setup_inputs(seed: int = 0) -> dict:
    key = jax.random.key(seed)
    k1, k2, k3, k4, k5 = jax.random.split(key, 5)
    agent_position = jax.random.normal(k1, (A, 2), dtype=jnp.float32) * 50.0
    agent_valid = jax.random.randint(k2, (A,), 0, 2) > 0
    agent_partition = jnp.sort(jax.random.randint(k3, (A,), 0, NPART)).astype(jnp.int32)
    polyline_start_position = jax.random.normal(k4, (P, 2), dtype=jnp.float32) * 50.0
    polyline_partition = jnp.sort(jax.random.randint(k5, (P,), 0, NPART)).astype(jnp.int32)
    return {
        "agent_position": agent_position,
        "agent_valid": agent_valid,
        "agent_partition": agent_partition,
        "polyline_start_position": polyline_start_position,
        "polyline_partition": polyline_partition,
    }


def reference(agent_position, agent_valid, agent_partition,
              polyline_start_position, polyline_partition):
    # EdgeSelector: k-nearest polyline starts for each valid agent,
    # restricted to the same partition (scene / batch element).
    # targets = agents, sources = polylines.
    diff = agent_position[:, None, :] - polyline_start_position[None, :, :]  # [A, P, 2]
    d2 = jnp.sum(diff * diff, axis=-1)                                        # [A, P]
    same_part = agent_partition[:, None] == polyline_partition[None, :]       # [A, P]
    mask = same_part & agent_valid[:, None]
    neg_d2 = jnp.where(mask, -d2, jnp.float32(-1e30))
    _, src = jax.lax.top_k(neg_d2, K)                                         # [A, K] polyline idx
    tgt = jnp.broadcast_to(jnp.arange(A, dtype=src.dtype)[:, None], (A, K))   # [A, K] agent idx
    # selector convention: row0 = target (agent), row1 = source (polyline)
    edge_index_a2pl = jnp.stack([tgt.reshape(-1), src.reshape(-1)], axis=0)   # [2, A*K]
    # module does .flip(0): row0 = polyline (agent side flipped), row1 = agent
    return edge_index_a2pl[::-1]

if __name__ == "__main__":
    import jax
    _d = setup_inputs()
    print(jax.jit(kernel)(*tuple(_d.values())))

</pallas_src>

<mosaic_0001>
#map = affine_map<(d0, d1) -> (0)>
#map1 = affine_map<(d0, d1) -> (0, 0)>
module attributes {stable_mosaic.version = 14 : i64} {
  func.func @k(%arg0: i32, %arg1: i32, %arg2: memref<8192xf32, #tpu.memory_space<hbm>>, %arg3: memref<8192xf32, #tpu.memory_space<hbm>>, %arg4: memref<8192xi32, #tpu.memory_space<hbm>>, %arg5: memref<8192xi32, #tpu.memory_space<hbm>>, %arg6: memref<4128xf32, #tpu.memory_space<hbm>>, %arg7: memref<4128xf32, #tpu.memory_space<hbm>>, %arg8: memref<16xi32, #tpu.memory_space<hbm>>, %arg9: memref<16xi32, #tpu.memory_space<hbm>>, %arg10: memref<2x131072xi32, #tpu.memory_space<hbm>>, %arg11: memref<4128xf32, #tpu.memory_space<vmem>>, %arg12: memref<4128xf32, #tpu.memory_space<vmem>>, %arg13: memref<256xf32, #tpu.memory_space<vmem>>, %arg14: memref<256xf32, #tpu.memory_space<vmem>>, %arg15: memref<256xi32, #tpu.memory_space<vmem>>, %arg16: memref<256xi32, #tpu.memory_space<vmem>>, %arg17: memref<16xi32, #tpu.memory_space<vmem>>, %arg18: memref<16xi32, #tpu.memory_space<vmem>>, %arg19: memref<4096xi32, #tpu.memory_space<vmem>>, %arg20: memref<4096xi32, #tpu.memory_space<vmem>>) attributes {dimension_semantics = [#tpu.dimension_semantics<core_parallel>, #tpu.dimension_semantics<subcore_parallel>], iteration_bounds = array<i64: 2, 16>, scalar_prefetch = 0 : i64, scratch_operands = 10 : i64, tpu.core_type = #tpu.core_type<sc_vector_subcore>, window_params = [{transform_indices = #map}, {transform_indices = #map}, {transform_indices = #map}, {transform_indices = #map}, {transform_indices = #map}, {transform_indices = #map}, {transform_indices = #map}, {transform_indices = #map}, {transform_indices = #map1}]} {
    %mul3A = arith.constant 2 : i32
    %mul3A_0 = arith.muli %arg1, %mul3A : i32
    %add3A = arith.addi %mul3A_0, %arg0 : i32
    %mul3A_1 = arith.constant 256 : i32
    %mul3A_2 = arith.muli %add3A, %mul3A_1 : i32
    "tpu.region"() ({
      %run_scoped3A_21 = tpu.sem_alloc : memref<!tpu.dma_semaphore, #tpu.memory_space<semaphore_mem>>
      tpu.enqueue_dma source(%arg6 : memref<4128xf32, #tpu.memory_space<hbm>>) target(%arg11 : memref<4128xf32, #tpu.memory_space<vmem>>) target_semaphore(%run_scoped3A_21 : memref<!tpu.dma_semaphore, #tpu.memory_space<semaphore_mem>>)
      tpu.wait_dma2 semaphore(%run_scoped3A_21 : memref<!tpu.dma_semaphore, #tpu.memory_space<semaphore_mem>>) src(%arg6 : memref<4128xf32, #tpu.memory_space<hbm>>) dst(%arg11 : memref<4128xf32, #tpu.memory_space<vmem>>)
      tpu.yield
    }) : () -> ()
    "tpu.region"() ({
      %run_scoped3A_21 = tpu.sem_alloc : memref<!tpu.dma_semaphore, #tpu.memory_space<semaphore_mem>>
      tpu.enqueue_dma source(%arg7 : memref<4128xf32, #tpu.memory_space<hbm>>) target(%arg12 : memref<4128xf32, #tpu.memory_space<vmem>>) target_semaphore(%run_scoped3A_21 : memref<!tpu.dma_semaphore, #tpu.memory_space<semaphore_mem>>)
      tpu.wait_dma2 semaphore(%run_scoped3A_21 : memref<!tpu.dma_semaphore, #tpu.memory_space<semaphore_mem>>) src(%arg7 : memref<4128xf32, #tpu.memory_space<hbm>>) dst(%arg12 : memref<4128xf32, #tpu.memory_space<vmem>>)
      tpu.yield
    }) : () -> ()
    "tpu.region"() ({
      %run_scoped3A_21 = tpu.sem_alloc : memref<!tpu.dma_semaphore, #tpu.memory_space<semaphore_mem>>
      tpu.enqueue_dma source(%arg8 : memref<16xi32, #tpu.memory_space<hbm>>) target(%arg17 : memref<16xi32, #tpu.memory_space<vmem>>) target_semaphore(%run_scoped3A_21 : memref<!tpu.dma_semaphore, #tpu.memory_space<semaphore_mem>>)
      tpu.wait_dma2 semaphore(%run_scoped3A_21 : memref<!tpu.dma_semaphore, #tpu.memory_space<semaphore_mem>>) src(%arg8 : memref<16xi32, #tpu.memory_space<hbm>>) dst(%arg17 : memref<16xi32, #tpu.memory_space<vmem>>)
      tpu.yield
    }) : () -> ()
    "tpu.region"() ({
      %run_scoped3A_21 = tpu.sem_alloc : memref<!tpu.dma_semaphore, #tpu.memory_space<semaphore_mem>>
      tpu.enqueue_dma source(%arg9 : memref<16xi32, #tpu.memory_space<hbm>>) target(%arg18 : memref<16xi32, #tpu.memory_space<vmem>>) target_semaphore(%run_scoped3A_21 : memref<!tpu.dma_semaphore, #tpu.memory_space<semaphore_mem>>)
      tpu.wait_dma2 semaphore(%run_scoped3A_21 : memref<!tpu.dma_semaphore, #tpu.memory_space<semaphore_mem>>) src(%arg9 : memref<16xi32, #tpu.memory_space<hbm>>) dst(%arg18 : memref<16xi32, #tpu.memory_space<vmem>>)
      tpu.yield
    }) : () -> ()
    "tpu.region"() ({
      %run_scoped3A_21 = tpu.sem_alloc : memref<!tpu.dma_semaphore, #tpu.memory_space<semaphore_mem>>
      %dma_start3A = tpu.memref_slice %arg2[%mul3A_2] : memref<8192xf32, #tpu.memory_space<hbm>> -> memref<256xf32, #tpu.memory_space<hbm>>
      %dma_start3A_22 = tpu.memref_slice %arg2[%mul3A_2] : memref<8192xf32, #tpu.memory_space<hbm>> -> memref<256xf32, #tpu.memory_space<hbm>>
      tpu.enqueue_dma source(%dma_start3A_22 : memref<256xf32, #tpu.memory_space<hbm>>) target(%arg13 : memref<256xf32, #tpu.memory_space<vmem>>) target_semaphore(%run_scoped3A_21 : memref<!tpu.dma_semaphore, #tpu.memory_space<semaphore_mem>>)
      %dma_wait3A = tpu.memref_slice %arg2[%mul3A_2] : memref<8192xf32, #tpu.memory_space<hbm>> -> memref<256xf32, #tpu.memory_space<hbm>>
      %dma_wait3A_23 = tpu.memref_slice %arg2[%mul3A_2] : memref<8192xf32, #tpu.memory_space<hbm>> -> memref<256xf32, #tpu.memory_space<hbm>>
      tpu.wait_dma2 semaphore(%run_scoped3A_21 : memref<!tpu.dma_semaphore, #tpu.memory_space<semaphore_mem>>) src(%dma_wait3A_23 : memref<256xf32, #tpu.memory_space<hbm>>) dst(%arg13 : memref<256xf32, #tpu.memory_space<vmem>>)
      tpu.yield
    }) : () -> ()
    "tpu.region"() ({
      %run_scoped3A_21 = tpu.sem_alloc : memref<!tpu.dma_semaphore, #tpu.memory_space<semaphore_mem>>
      %dma_start3A = tpu.memref_slice %arg3[%mul3A_2] : memref<8192xf32, #tpu.memory_space<hbm>> -> memref<256xf32, #tpu.memory_space<hbm>>
      %dma_start3A_22 = tpu.memref_slice %arg3[%mul3A_2] : memref<8192xf32, #tpu.memory_space<hbm>> -> memref<256xf32, #tpu.memory_space<hbm>>
      tpu.enqueue_dma source(%dma_start3A_22 : memref<256xf32, #tpu.memory_space<hbm>>) target(%arg14 : memref<256xf32, #tpu.memory_space<vmem>>) target_semaphore(%run_scoped3A_21 : memref<!tpu.dma_semaphore, #tpu.memory_space<semaphore_mem>>)
      %dma_wait3A = tpu.memref_slice %arg3[%mul3A_2] : memref<8192xf32, #tpu.memory_space<hbm>> -> memref<256xf32, #tpu.memory_space<hbm>>
      %dma_wait3A_23 = tpu.memref_slice %arg3[%mul3A_2] : memref<8192xf32, #tpu.memory_space<hbm>> -> memref<256xf32, #tpu.memory_space<hbm>>
      tpu.wait_dma2 semaphore(%run_scoped3A_21 : memref<!tpu.dma_semaphore, #tpu.memory_space<semaphore_mem>>) src(%dma_wait3A_23 : memref<256xf32, #tpu.memory_space<hbm>>) dst(%arg14 : memref<256xf32, #tpu.memory_space<vmem>>)
      tpu.yield
    }) : () -> ()
    "tpu.region"() ({
      %run_scoped3A_21 = tpu.sem_alloc : memref<!tpu.dma_semaphore, #tpu.memory_space<semaphore_mem>>
      %dma_start3A = tpu.memref_slice %arg4[%mul3A_2] : memref<8192xi32, #tpu.memory_space<hbm>> -> memref<256xi32, #tpu.memory_space<hbm>>
      %dma_start3A_22 = tpu.memref_slice %arg4[%mul3A_2] : memref<8192xi32, #tpu.memory_space<hbm>> -> memref<256xi32, #tpu.memory_space<hbm>>
      tpu.enqueue_dma source(%dma_start3A_22 : memref<256xi32, #tpu.memory_space<hbm>>) target(%arg15 : memref<256xi32, #tpu.memory_space<vmem>>) target_semaphore(%run_scoped3A_21 : memref<!tpu.dma_semaphore, #tpu.memory_space<semaphore_mem>>)
      %dma_wait3A = tpu.memref_slice %arg4[%mul3A_2] : memref<8192xi32, #tpu.memory_space<hbm>> -> memref<256xi32, #tpu.memory_space<hbm>>
      %dma_wait3A_23 = tpu.memref_slice %arg4[%mul3A_2] : memref<8192xi32, #tpu.memory_space<hbm>> -> memref<256xi32, #tpu.memory_space<hbm>>
      tpu.wait_dma2 semaphore(%run_scoped3A_21 : memref<!tpu.dma_semaphore, #tpu.memory_space<semaphore_mem>>) src(%dma_wait3A_23 : memref<256xi32, #tpu.memory_space<hbm>>) dst(%arg15 : memref<256xi32, #tpu.memory_space<vmem>>)
      tpu.yield
    }) : () -> ()
    "tpu.region"() ({
      %run_scoped3A_21 = tpu.sem_alloc : memref<!tpu.dma_semaphore, #tpu.memory_space<semaphore_mem>>
      %dma_start3A = tpu.memref_slice %arg5[%mul3A_2] : memref<8192xi32, #tpu.memory_space<hbm>> -> memref<256xi32, #tpu.memory_space<hbm>>
      %dma_start3A_22 = tpu.memref_slice %arg5[%mul3A_2] : memref<8192xi32, #tpu.memory_space<hbm>> -> memref<256xi32, #tpu.memory_space<hbm>>
      tpu.enqueue_dma source(%dma_start3A_22 : memref<256xi32, #tpu.memory_space<hbm>>) target(%arg16 : memref<256xi32, #tpu.memory_space<vmem>>) target_semaphore(%run_scoped3A_21 : memref<!tpu.dma_semaphore, #tpu.memory_space<semaphore_mem>>)
      %dma_wait3A = tpu.memref_slice %arg5[%mul3A_2] : memref<8192xi32, #tpu.memory_space<hbm>> -> memref<256xi32, #tpu.memory_space<hbm>>
      %dma_wait3A_23 = tpu.memref_slice %arg5[%mul3A_2] : memref<8192xi32, #tpu.memory_space<hbm>> -> memref<256xi32, #tpu.memory_space<hbm>>
      tpu.wait_dma2 semaphore(%run_scoped3A_21 : memref<!tpu.dma_semaphore, #tpu.memory_space<semaphore_mem>>) src(%dma_wait3A_23 : memref<256xi32, #tpu.memory_space<hbm>>) dst(%arg16 : memref<256xi32, #tpu.memory_space<vmem>>)
      tpu.yield
    }) : () -> ()
    %iota3A = tpu.iota {dimensions = array<i32: 0>} : vector<16xi32>
    %get3A = arith.constant 0 : index
    %get3A_3 = tpu.vector_load %arg17[%get3A] {strides = array<i32>} : memref<16xi32, #tpu.memory_space<vmem>>, vector<16xi32>,
    %get3A_4 = arith.constant 0 : index
    %get3A_5 = tpu.vector_load %arg18[%get3A_4] {strides = array<i32>} : memref<16xi32, #tpu.memory_space<vmem>>, vector<16xi32>,
    %broadcast_in_dim3A = arith.constant 1.000000e+30 : f32
    %broadcast_in_dim3A_6 = vector.broadcast %broadcast_in_dim3A : f32 to vector<16xf32>
    %broadcast_in_dim3A_7 = arith.constant 0 : i32
    %broadcast_in_dim3A_8 = vector.broadcast %broadcast_in_dim3A_7 : i32 to vector<16xi32>
    %scan3A = arith.constant 4096 : i32
    %scan3A_9 = arith.constant 0 : i32
    %scan3A_10 = arith.constant 0 : i32
    %scan3A_11 = arith.constant 64 : i32
    %scan3A_12 = arith.addi %scan3A_10, %scan3A_11 : i32
    %scan3A_13 = arith.constant 1 : i32
    %scan3A_14 = scf.for %scan3A_21 = %scan3A_10 to %scan3A_12 step %scan3A_13 iter_args(%scan3A_22 = %scan3A_9) -> (i32)  : i32 {
      %mul3A_23 = arith.constant 4 : i32
      %mul3A_24 = arith.muli %mul3A_23, %scan3A_21 : i32
      %and3A = arith.constant -16 : i32
      %and3A_25 = arith.andi %mul3A_24, %and3A : i32
      %sub3A = arith.subi %mul3A_24, %and3A_25 : i32
      %get3A_26 = arith.index_cast %and3A_25 : i32 to index
      %get3A_27 = tpu.vector_load %arg13[%get3A_26] {strides = array<i32>} : memref<256xf32, #tpu.memory_space<vmem>>, vector<16xf32>,
      %get3A_28 = arith.index_cast %and3A_25 : i32 to index
      %get3A_29 = tpu.vector_load %arg14[%get3A_28] {strides = array<i32>} : memref<256xf32, #tpu.memory_space<vmem>>, vector<16xf32>,
      %get3A_30 = arith.index_cast %and3A_25 : i32 to index
      %get3A_31 = tpu.vector_load %arg16[%get3A_30] {strides = array<i32>} : memref<256xi32, #tpu.memory_space<vmem>>, vector<16xi32>,
      %get3A_32 = arith.index_cast %and3A_25 : i32 to index
      %get3A_33 = tpu.vector_load %arg15[%get3A_32] {strides = array<i32>} : memref<256xi32, #tpu.memory_space<vmem>>, vector<16xi32>,
      %gt3A = arith.constant 0 : i32
      %gt3A_34 = vector.broadcast %gt3A : i32 to vector<16xi32>
      %gt3A_35 = arith.cmpi sgt, %get3A_33, %gt3A_34 : vector<16xi32>
      %reshape3A = vector.shape_cast %get3A_31 : vector<16xi32> to vector<16x1xi32>
      %gather3A = vector.shape_cast %reshape3A : vector<16x1xi32> to vector<16xi32>
      %gather3A_36 = tpu.dynamic_gather %get3A_3[%gather3A] in [0] : vector<16xi32>, vector<16xi32> -> vector<16xi32>
      %jit3A = arith.constant 0 : i32
      %broadcast_in_dim3A_37 = vector.broadcast %jit3A : i32 to vector<16xi32>
      %select_n3A = arith.select %gt3A_35, %gather3A_36, %broadcast_in_dim3A_37 : vector<16xi1>, vector<16xi32>
      %reshape3A_38 = vector.shape_cast %get3A_31 : vector<16xi32> to vector<16x1xi32>
      %gather3A_39 = vector.shape_cast %reshape3A_38 : vector<16x1xi32> to vector<16xi32>
      %gather3A_40 = tpu.dynamic_gather %get3A_5[%gather3A_39] in [0] : vector<16xi32>, vector<16xi32> -> vector<16xi32>
      %jit3A_41 = arith.constant 0 : i32
      %broadcast_in_dim3A_42 = vector.broadcast %jit3A_41 : i32 to vector<16xi32>
      %select_n3A_43 = arith.select %gt3A_35, %gather3A_40, %broadcast_in_dim3A_42 : vector<16xi1>, vector<16xi32>
      %sub3A_44 = arith.subi %select_n3A_43, %select_n3A : vector<16xi32>
      %add3A_45 = arith.constant 15 : i32
      %add3A_46 = vector.broadcast %add3A_45 : i32 to vector<16xi32>
      %add3A_47 = arith.addi %sub3A_44, %add3A_46 : vector<16xi32>
      %shift_right_logical3A = arith.constant 4 : i32
      %shift_right_logical3A_48 = vector.broadcast %shift_right_logical3A : i32 to vector<16xi32>
      %shift_right_logical3A_49 = arith.shrui %add3A_47, %shift_right_logical3A_48 : vector<16xi32>
      %shift_left3A = arith.constant 16 : i32
      %shift_left3A_50 = vector.broadcast %shift_left3A : i32 to vector<16xi32>
      %shift_left3A_51 = arith.shli %shift_right_logical3A_49, %shift_left3A_50 : vector<16xi32>
      %or3A = arith.ori %shift_left3A_51, %select_n3A : vector<16xi32>
      %broadcast_in_dim3A_52 = vector.broadcast %sub3A : i32 to vector<16xi32>
      %add3A_53 = arith.constant 0 : i32
      %add3A_54 = vector.broadcast %add3A_53 : i32 to vector<16xi32>
      %add3A_55 = arith.addi %broadcast_in_dim3A_52, %add3A_54 : vector<16xi32>
      %reshape3A_56 = vector.shape_cast %add3A_55 : vector<16xi32> to vector<16x1xi32>
      %gather3A_57 = vector.shape_cast %reshape3A_56 : vector<16x1xi32> to vector<16xi32>
      %gather3A_58 = tpu.dynamic_gather %get3A_27[%gather3A_57] in [0] : vector<16xf32>, vector<16xi32> -> vector<16xf32>
      %reshape3A_59 = vector.shape_cast %add3A_55 : vector<16xi32> to vector<16x1xi32>
      %gather3A_60 = vector.shape_cast %reshape3A_59 : vector<16x1xi32> to vector<16xi32>
      %gather3A_61 = tpu.dynamic_gather %get3A_29[%gather3A_60] in [0] : vector<16xf32>, vector<16xi32> -> vector<16xf32>
      %reshape3A_62 = vector.shape_cast %add3A_55 : vector<16xi32> to vector<16x1xi32>
      %gather3A_63 = vector.shape_cast %reshape3A_62 : vector<16x1xi32> to vector<16xi32>
      %gather3A_64 = tpu.dynamic_gather %select_n3A[%gather3A_63] in [0] : vector<16xi32>, vector<16xi32> -> vector<16xi32>
      %reshape3A_65 = vector.shape_cast %add3A_55 : vector<16xi32> to vector<16x1xi32>
      %gather3A_66 = vector.shape_cast %reshape3A_65 : vector<16x1xi32> to vector<16xi32>
      %gather3A_67 = tpu.dynamic_gather %select_n3A_43[%gather3A_66] in [0] : vector<16xi32>, vector<16xi32> -> vector<16xi32>
      %reshape3A_68 = vector.shape_cast %add3A_55 : vector<16xi32> to vector<16x1xi32>
      %gather3A_69 = vector.shape_cast %reshape3A_68 : vector<16x1xi32> to vector<16xi32>
      %gather3A_70 = tpu.dynamic_gather %or3A[%gather3A_69] in [0] : vector<16xi32>, vector<16xi32> -> vector<16xi32>
      %slice3A = vector.extract_strided_slice %gather3A_70 {offsets = [0], sizes = [1], strides = [1]} : vector<16xi32> to vector<1xi32>
      %squeeze3A = vector.extract %slice3A[0] : i32 from vector<1xi32>
      %and3A_71 = arith.constant 65535 : i32
      %and3A_72 = arith.andi %squeeze3A, %and3A_71 : i32
      %shift_right_logical3A_73 = arith.constant 16 : i32
      %shift_right_logical3A_74 = arith.shrui %squeeze3A, %shift_right_logical3A_73 : i32
      %add3A_75 = arith.constant 1 : i32
      %add3A_76 = vector.broadcast %add3A_75 : i32 to vector<16xi32>
      %add3A_77 = arith.addi %broadcast_in_dim3A_52, %add3A_76 : vector<16xi32>
      %reshape3A_78 = vector.shape_cast %add3A_77 : vector<16xi32> to vector<16x1xi32>
      %gather3A_79 = vector.shape_cast %reshape3A_78 : vector<16x1xi32> to vector<16xi32>
      %gather3A_80 = tpu.dynamic_gather %get3A_27[%gather3A_79] in [0] : vector<16xf32>, vector<16xi32> -> vector<16xf32>
      %reshape3A_81 = vector.shape_cast %add3A_77 : vector<16xi32> to vector<16x1xi32>
      %gather3A_82 = vector.shape_cast %reshape3A_81 : vector<16x1xi32> to vector<16xi32>
      %gather3A_83 = tpu.dynamic_gather %get3A_29[%gather3A_82] in [0] : vector<16xf32>, vector<16xi32> -> vector<16xf32>
      %reshape3A_84 = vector.shape_cast %add3A_77 : vector<16xi32> to vector<16x1xi32>
      %gather3A_85 = vector.shape_cast %reshape3A_84 : vector<16x1xi32> to vector<16xi32>
      %gather3A_86 = tpu.dynamic_gather %select_n3A[%gather3A_85] in [0] : vector<16xi32>, vector<16xi32> -> vector<16xi32>
      %reshape3A_87 = vector.shape_cast %add3A_77 : vector<16xi32> to vector<16x1xi32>
      %gather3A_88 = vector.shape_cast %reshape3A_87 : vector<16x1xi32> to vector<16xi32>
      %gather3A_89 = tpu.dynamic_gather %select_n3A_43[%gather3A_88] in [0] : vector<16xi32>, vector<16xi32> -> vector<16xi32>
      %reshape3A_90 = vector.shape_cast %add3A_77 : vector<16xi32> to vector<16x1xi32>
      %gather3A_91 = vector.shape_cast %reshape3A_90 : vector<16x1xi32> to vector<16xi32>
      %gather3A_92 = tpu.dynamic_gather %or3A[%gather3A_91] in [0] : vector<16xi32>, vector<16xi32> -> vector<16xi32>
      %slice3A_93 = vector.extract_strided_slice %gather3A_92 {offsets = [0], sizes = [1], strides = [1]} : vector<16xi32> to vector<1xi32>
      %squeeze3A_94 = vector.extract %slice3A_93[0] : i32 from vector<1xi32>
      %and3A_95 = arith.constant 65535 : i32
      %and3A_96 = arith.andi %squeeze3A_94, %and3A_95 : i32
      %shift_right_logical3A_97 = arith.constant 16 : i32
      %shift_right_logical3A_98 = arith.shrui %squeeze3A_94, %shift_right_logical3A_97 : i32
      %add3A_99 = arith.constant 2 : i32
      %add3A_100 = vector.broadcast %add3A_99 : i32 to vector<16xi32>
      %add3A_101 = arith.addi %broadcast_in_dim3A_52, %add3A_100 : vector<16xi32>
      %reshape3A_102 = vector.shape_cast %add3A_101 : vector<16xi32> to vector<16x1xi32>
      %gather3A_103 = vector.shape_cast %reshape3A_102 : vector<16x1xi32> to vector<16xi32>
      %gather3A_104 = tpu.dynamic_gather %get3A_27[%gather3A_103] in [0] : vector<16xf32>, vector<16xi32> -> vector<16xf32>
      %reshape3A_105 = vector.shape_cast %add3A_101 : vector<16xi32> to vector<16x1xi32>
      %gather3A_106 = vector.shape_cast %reshape3A_105 : vector<16x1xi32> to vector<16xi32>
      %gather3A_107 = tpu.dynamic_gather %get3A_29[%gather3A_106] in [0] : vector<16xf32>, vector<16xi32> -> vector<16xf32>
      %reshape3A_108 = vector.shape_cast %add3A_101 : vector<16xi32> to vector<16x1xi32>
      %gather3A_109 = vector.shape_cast %reshape3A_108 : vector<16x1xi32> to vector<16xi32>
      %gather3A_110 = tpu.dynamic_gather %select_n3A[%gather3A_109] in [0] : vector<16xi32>, vector<16xi32> -> vector<16xi32>
      %reshape3A_111 = vector.shape_cast %add3A_101 : vector<16xi32> to vector<16x1xi32>
      %gather3A_112 = vector.shape_cast %reshape3A_111 : vector<16x1xi32> to vector<16xi32>
      %gather3A_113 = tpu.dynamic_gather %select_n3A_43[%gather3A_112] in [0] : vector<16xi32>, vector<16xi32> -> vector<16xi32>
      %reshape3A_114 = vector.shape_cast %add3A_101 : vector<16xi32> to vector<16x1xi32>
      %gather3A_115 = vector.shape_cast %reshape3A_114 : vector<16x1xi32> to vector<16xi32>
      %gather3A_116 = tpu.dynamic_gather %or3A[%gather3A_115] in [0] : vector<16xi32>, vector<16xi32> -> vector<16xi32>
      %slice3A_117 = vector.extract_strided_slice %gather3A_116 {offsets = [0], sizes = [1], strides = [1]} : vector<16xi32> to vector<1xi32>
      %squeeze3A_118 = vector.extract %slice3A_117[0] : i32 from vector<1xi32>
      %and3A_119 = arith.constant 65535 : i32
      %and3A_120 = arith.andi %squeeze3A_118, %and3A_119 : i32
      %shift_right_logical3A_121 = arith.constant 16 : i32
      %shift_right_logical3A_122 = arith.shrui %squeeze3A_118, %shift_right_logical3A_121 : i32
      %add3A_123 = arith.constant 3 : i32
      %add3A_124 = vector.broadcast %add3A_123 : i32 to vector<16xi32>
      %add3A_125 = arith.addi %broadcast_in_dim3A_52, %add3A_124 : vector<16xi32>
      %reshape3A_126 = vector.shape_cast %add3A_125 : vector<16xi32> to vector<16x1xi32>
      %gather3A_127 = vector.shape_cast %reshape3A_126 : vector<16x1xi32> to vector<16xi32>
      %gather3A_128 = tpu.dynamic_gather %get3A_27[%gather3A_127] in [0] : vector<16xf32>, vector<16xi32> -> vector<16xf32>
      %reshape3A_129 = vector.shape_cast %add3A_125 : vector<16xi32> to vector<16x1xi32>
      %gather3A_130 = vector.shape_cast %reshape3A_129 : vector<16x1xi32> to vector<16xi32>
      %gather3A_131 = tpu.dynamic_gather %get3A_29[%gather3A_130] in [0] : vector<16xf32>, vector<16xi32> -> vector<16xf32>
      %reshape3A_132 = vector.shape_cast %add3A_125 : vector<16xi32> to vector<16x1xi32>
      %gather3A_133 = vector.shape_cast %reshape3A_132 : vector<16x1xi32> to vector<16xi32>
      %gather3A_134 = tpu.dynamic_gather %select_n3A[%gather3A_133] in [0] : vector<16xi32>, vector<16xi32> -> vector<16xi32>
      %reshape3A_135 = vector.shape_cast %add3A_125 : vector<16xi32> to vector<16x1xi32>
      %gather3A_136 = vector.shape_cast %reshape3A_135 : vector<16x1xi32> to vector<16xi32>
      %gather3A_137 = tpu.dynamic_gather %select_n3A_43[%gather3A_136] in [0] : vector<16xi32>, vector<16xi32> -> vector<16xi32>
      %reshape3A_138 = vector.shape_cast %add3A_125 : vector<16xi32> to vector<16x1xi32>
      %gather3A_139 = vector.shape_cast %reshape3A_138 : vector<16x1xi32> to vector<16xi32>
      %gather3A_140 = tpu.dynamic_gather %or3A[%gather3A_139] in [0] : vector<16xi32>, vector<16xi32> -> vector<16xi32>
      %slice3A_141 = vector.extract_strided_slice %gather3A_140 {offsets = [0], sizes = [1], strides = [1]} : vector<16xi32> to vector<1xi32>
      %squeeze3A_142 = vector.extract %slice3A_141[0] : i32 from vector<1xi32>
      %and3A_143 = arith.constant 65535 : i32
      %and3A_144 = arith.andi %squeeze3A_142, %and3A_143 : i32
      %shift_right_logical3A_145 = arith.constant 16 : i32
      %shift_right_logical3A_146 = arith.shrui %squeeze3A_142, %shift_right_logical3A_145 : i32
      %max3A = arith.maxsi %shift_right_logical3A_74, %shift_right_logical3A_98 : i32
      %max3A_147 = arith.maxsi %max3A, %shift_right_logical3A_122 : i32
      %max3A_148 = arith.maxsi %max3A_147, %shift_right_logical3A_146 : i32
      %while3A = arith.constant 0 : i32
      %while3A_149 = arith.subi %max3A_148, %while3A : i32
      %while3A_150 = arith.addi %while3A, %while3A_149 : i32
      %while3A_151 = arith.constant 1 : i32
      %while3A_152 = arith.divsi %while3A_149, %while3A_151 : i32
      %while3A_153 = arith.muli %while3A_152, %while3A_151 : i32
      %while3A_154 = arith.addi %while3A, %while3A_153 : i32
      %while3A_155 = arith.constant 1 : i32
      %while3A_156:8 = scf.for %while3A_238 = %while3A to %while3A_154 step %while3A_155 iter_args(%while3A_239 = %broadcast_in_dim3A_6, %while3A_240 = %broadcast_in_dim3A_8, %while3A_241 = %broadcast_in_dim3A_6, %while3A_242 = %broadcast_in_dim3A_8, %while3A_243 = %broadcast_in_dim3A_6, %while3A_244 = %broadcast_in_dim3A_8, %while3A_245 = %broadcast_in_dim3A_6, %while3A_246 = %broadcast_in_dim3A_8) -> (vector<16xf32>, vector<16xi32>, vector<16xf32>, vector<16xi32>, vector<16xf32>, vector<16xi32>, vector<16xf32>, vector<16xi32>)  : i32 {
        %mul3A_247 = arith.constant 16 : i32
        %mul3A_248 = arith.muli %while3A_238, %mul3A_247 : i32
        %add3A_249 = arith.addi %and3A_72, %mul3A_248 : i32
        %min3A = arith.minsi %add3A_249, %scan3A : i32
        %broadcast_in_dim3A_250 = vector.broadcast %min3A : i32 to vector<16xi32>
        %add3A_251 = arith.addi %broadcast_in_dim3A_250, %iota3A : vector<16xi32>
        %get3A_252 = arith.index_cast %min3A : i32 to index
        %get3A_253 = tpu.vector_load %arg11[%get3A_252] {strides = array<i32>} : memref<4128xf32, #tpu.memory_space<vmem>>, vector<16xf32>,
        %sub3A_254 = arith.subf %get3A_253, %gather3A_58 : vector<16xf32>
        %get3A_255 = arith.index_cast %min3A : i32 to index
        %get3A_256 = tpu.vector_load %arg12[%get3A_255] {strides = array<i32>} : memref<4128xf32, #tpu.memory_space<vmem>>, vector<16xf32>,
        %sub3A_257 = arith.subf %get3A_256, %gather3A_61 : vector<16xf32>
        %mul3A_258 = arith.mulf %sub3A_254, %sub3A_254 : vector<16xf32>
        %mul3A_259 = arith.mulf %sub3A_257, %sub3A_257 : vector<16xf32>
        %add3A_260 = arith.addf %mul3A_258, %mul3A_259 : vector<16xf32>
        %lt3A_261 = arith.cmpi slt, %add3A_251, %gather3A_67 : vector<16xi32>
        %jit3A_262 = arith.constant 1.000000e+30 : f32
        %broadcast_in_dim3A_263 = vector.broadcast %jit3A_262 : f32 to vector<16xf32>
        %select_n3A_264 = arith.select %lt3A_261, %add3A_260, %broadcast_in_dim3A_263 : vector<16xi1>, vector<16xf32>
        %masked_sort3A = arith.constant dense<true> : vector<16xi1>
        %masked_sort3A_265, %masked_sort3A_266, %masked_sort3A_267 = tpu.sort %select_n3A_264, %add3A_251 masked %masked_sort3A : (vector<16xf32>, vector<16xi32>, vector<16xi1>) -> (vector<16xi1>, vector<16xf32>, vector<16xi32>)
        %rev3A = arith.constant 15 : i32
        %rev3A_268 = vector.broadcast %rev3A : i32 to vector<16xi32>
        %rev3A_269 = tpu.iota {dimensions = array<i32: 0>} : vector<16xi32>
        %rev3A_270 = arith.subi %rev3A_268, %rev3A_269 : vector<16xi32>
        %rev3A_271 = tpu.dynamic_gather %masked_sort3A_266[%rev3A_270] in [0] : vector<16xf32>, vector<16xi32> -> vector<16xf32>
        %rev3A_272 = arith.constant 15 : i32
        %rev3A_273 = vector.broadcast %rev3A_272 : i32 to vector<16xi32>
        %rev3A_274 = tpu.iota {dimensions = array<i32: 0>} : vector<16xi32>
        %rev3A_275 = arith.subi %rev3A_273, %rev3A_274 : vector<16xi32>
        %rev3A_276 = tpu.dynamic_gather %masked_sort3A_267[%rev3A_275] in [0] : vector<16xi32>, vector<16xi32> -> vector<16xi32>
        %le3A = arith.cmpf ole, %while3A_239, %rev3A_271 : vector<16xf32>
        %select_n3A_277 = arith.select %le3A, %while3A_239, %rev3A_271 : vector<16xi1>, vector<16xf32>
        %select_n3A_278 = arith.select %le3A, %while3A_240, %rev3A_276 : vector<16xi1>, vector<16xi32>
        %masked_sort3A_279 = arith.constant dense<true> : vector<16xi1>
        %masked_sort3A_280, %masked_sort3A_281, %masked_sort3A_282 = tpu.sort %select_n3A_277, %select_n3A_278 masked %masked_sort3A_279 : (vector<16xf32>, vector<16xi32>, vector<16xi1>) -> (vector<16xi1>, vector<16xf32>, vector<16xi32>)
        %add3A_283 = arith.addi %and3A_96, %mul3A_248 : i32
        %min3A_284 = arith.minsi %add3A_283, %scan3A : i32
        %broadcast_in_dim3A_285 = vector.broadcast %min3A_284 : i32 to vector<16xi32>
        %add3A_286 = arith.addi %broadcast_in_dim3A_285, %iota3A : vector<16xi32>
        %get3A_287 = arith.index_cast %min3A_284 : i32 to index
        %get3A_288 = tpu.vector_load %arg11[%get3A_287] {strides = array<i32>} : memref<4128xf32, #tpu.memory_space<vmem>>, vector<16xf32>,
        %sub3A_289 = arith.subf %get3A_288, %gather3A_80 : vector<16xf32>
        %get3A_290 = arith.index_cast %min3A_284 : i32 to index
        %get3A_291 = tpu.vector_load %arg12[%get3A_290] {strides = array<i32>} : memref<4128xf32, #tpu.memory_space<vmem>>, vector<16xf32>,
        %sub3A_292 = arith.subf %get3A_291, %gather3A_83 : vector<16xf32>
        %mul3A_293 = arith.mulf %sub3A_289, %sub3A_289 : vector<16xf32>
        %mul3A_294 = arith.mulf %sub3A_292, %sub3A_292 : vector<16xf32>
        %add3A_295 = arith.addf %mul3A_293, %mul3A_294 : vector<16xf32>
        %lt3A_296 = arith.cmpi slt, %add3A_286, %gather3A_89 : vector<16xi32>
        %jit3A_297 = arith.constant 1.000000e+30 : f32
        %broadcast_in_dim3A_298 = vector.broadcast %jit3A_297 : f32 to vector<16xf32>
        %select_n3A_299 = arith.select %lt3A_296, %add3A_295, %broadcast_in_dim3A_298 : vector<16xi1>, vector<16xf32>
        %masked_sort3A_300 = arith.constant dense<true> : vector<16xi1>
        %masked_sort3A_301, %masked_sort3A_302, %masked_sort3A_303 = tpu.sort %select_n3A_299, %add3A_286 masked %masked_sort3A_300 : (vector<16xf32>, vector<16xi32>, vector<16xi1>) -> (vector<16xi1>, vector<16xf32>, vector<16xi32>)
        %rev3A_304 = arith.constant 15 : i32
        %rev3A_305 = vector.broadcast %rev3A_304 : i32 to vector<16xi32>
        %rev3A_306 = tpu.iota {dimensions = array<i32: 0>} : vector<16xi32>
        %rev3A_307 = arith.subi %rev3A_305, %rev3A_306 : vector<16xi32>
        %rev3A_308 = tpu.dynamic_gather %masked_sort3A_302[%rev3A_307] in [0] : vector<16xf32>, vector<16xi32> -> vector<16xf32>
        %rev3A_309 = arith.constant 15 : i32
        %rev3A_310 = vector.broadcast %rev3A_309 : i32 to vector<16xi32>
        %rev3A_311 = tpu.iota {dimensions = array<i32: 0>} : vector<16xi32>
        %rev3A_312 = arith.subi %rev3A_310, %rev3A_311 : vector<16xi32>
        %rev3A_313 = tpu.dynamic_gather %masked_sort3A_303[%rev3A_312] in [0] : vector<16xi32>, vector<16xi32> -> vector<16xi32>
        %le3A_314 = arith.cmpf ole, %while3A_241, %rev3A_308 : vector<16xf32>
        %select_n3A_315 = arith.select %le3A_314, %while3A_241, %rev3A_308 : vector<16xi1>, vector<16xf32>
        %select_n3A_316 = arith.select %le3A_314, %while3A_242, %rev3A_313 : vector<16xi1>, vector<16xi32>
        %masked_sort3A_317 = arith.constant dense<true> : vector<16xi1>
        %masked_sort3A_318, %masked_sort3A_319, %masked_sort3A_320 = tpu.sort %select_n3A_315, %select_n3A_316 masked %masked_sort3A_317 : (vector<16xf32>, vector<16xi32>, vector<16xi1>) -> (vector<16xi1>, vector<16xf32>, vector<16xi32>)
        %add3A_321 = arith.addi %and3A_120, %mul3A_248 : i32
        %min3A_322 = arith.minsi %add3A_321, %scan3A : i32
        %broadcast_in_dim3A_323 = vector.broadcast %min3A_322 : i32 to vector<16xi32>
        %add3A_324 = arith.addi %broadcast_in_dim3A_323, %iota3A : vector<16xi32>
        %get3A_325 = arith.index_cast %min3A_322 : i32 to index
        %get3A_326 = tpu.vector_load %arg11[%get3A_325] {strides = array<i32>} : memref<4128xf32, #tpu.memory_space<vmem>>, vector<16xf32>,
        %sub3A_327 = arith.subf %get3A_326, %gather3A_104 : vector<16xf32>
        %get3A_328 = arith.index_cast %min3A_322 : i32 to index
        %get3A_329 = tpu.vector_load %arg12[%get3A_328] {strides = array<i32>} : memref<4128xf32, #tpu.memory_space<vmem>>, vector<16xf32>,
        %sub3A_330 = arith.subf %get3A_329, %gather3A_107 : vector<16xf32>
        %mul3A_331 = arith.mulf %sub3A_327, %sub3A_327 : vector<16xf32>
        %mul3A_332 = arith.mulf %sub3A_330, %sub3A_330 : vector<16xf32>
        %add3A_333 = arith.addf %mul3A_331, %mul3A_332 : vector<16xf32>
        %lt3A_334 = arith.cmpi slt, %add3A_324, %gather3A_113 : vector<16xi32>
        %jit3A_335 = arith.constant 1.000000e+30 : f32
        %broadcast_in_dim3A_336 = vector.broadcast %jit3A_335 : f32 to vector<16xf32>
        %select_n3A_337 = arith.select %lt3A_334, %add3A_333, %broadcast_in_dim3A_336 : vector<16xi1>, vector<16xf32>
        %masked_sort3A_338 = arith.constant dense<true> : vector<16xi1>
        %masked_sort3A_339, %masked_sort3A_340, %masked_sort3A_341 = tpu.sort %select_n3A_337, %add3A_324 masked %masked_sort3A_338 : (vector<16xf32>, vector<16xi32>, vector<16xi1>) -> (vector<16xi1>, vector<16xf32>, vector<16xi32>)
        %rev3A_342 = arith.constant 15 : i32
        %rev3A_343 = vector.broadcast %rev3A_342 : i32 to vector<16xi32>
        %rev3A_344 = tpu.iota {dimensions = array<i32: 0>} : vector<16xi32>
        %rev3A_345 = arith.subi %rev3A_343, %rev3A_344 : vector<16xi32>
        %rev3A_346 = tpu.dynamic_gather %masked_sort3A_340[%rev3A_345] in [0] : vector<16xf32>, vector<16xi32> -> vector<16xf32>
        %rev3A_347 = arith.constant 15 : i32
        %rev3A_348 = vector.broadcast %rev3A_347 : i32 to vector<16xi32>
        %rev3A_349 = tpu.iota {dimensions = array<i32: 0>} : vector<16xi32>
        %rev3A_350 = arith.subi %rev3A_348, %rev3A_349 : vector<16xi32>
        %rev3A_351 = tpu.dynamic_gather %masked_sort3A_341[%rev3A_350] in [0] : vector<16xi32>, vector<16xi32> -> vector<16xi32>
        %le3A_352 = arith.cmpf ole, %while3A_243, %rev3A_346 : vector<16xf32>
        %select_n3A_353 = arith.select %le3A_352, %while3A_243, %rev3A_346 : vector<16xi1>, vector<16xf32>
        %select_n3A_354 = arith.select %le3A_352, %while3A_244, %rev3A_351 : vector<16xi1>, vector<16xi32>
        %masked_sort3A_355 = arith.constant dense<true> : vector<16xi1>
        %masked_sort3A_356, %masked_sort3A_357, %masked_sort3A_358 = tpu.sort %select_n3A_353, %select_n3A_354 masked %masked_sort3A_355 : (vector<16xf32>, vector<16xi32>, vector<16xi1>) -> (vector<16xi1>, vector<16xf32>, vector<16xi32>)
        %add3A_359 = arith.addi %and3A_144, %mul3A_248 : i32
        %min3A_360 = arith.minsi %add3A_359, %scan3A : i32
        %broadcast_in_dim3A_361 = vector.broadcast %min3A_360 : i32 to vector<16xi32>
        %add3A_362 = arith.addi %broadcast_in_dim3A_361, %iota3A : vector<16xi32>
        %get3A_363 = arith.index_cast %min3A_360 : i32 to index
        %get3A_364 = tpu.vector_load %arg11[%get3A_363] {strides = array<i32>} : memref<4128xf32, #tpu.memory_space<vmem>>, vector<16xf32>,
        %sub3A_365 = arith.subf %get3A_364, %gather3A_128 : vector<16xf32>
        %get3A_366 = arith.index_cast %min3A_360 : i32 to index
        %get3A_367 = tpu.vector_load %arg12[%get3A_366] {strides = array<i32>} : memref<4128xf32, #tpu.memory_space<vmem>>, vector<16xf32>,
        %sub3A_368 = arith.subf %get3A_367, %gather3A_131 : vector<16xf32>
        %mul3A_369 = arith.mulf %sub3A_365, %sub3A_365 : vector<16xf32>
        %mul3A_370 = arith.mulf %sub3A_368, %sub3A_368 : vector<16xf32>
        %add3A_371 = arith.addf %mul3A_369, %mul3A_370 : vector<16xf32>
        %lt3A_372 = arith.cmpi slt, %add3A_362, %gather3A_137 : vector<16xi32>
        %jit3A_373 = arith.constant 1.000000e+30 : f32
        %broadcast_in_dim3A_374 = vector.broadcast %jit3A_373 : f32 to vector<16xf32>
        %select_n3A_375 = arith.select %lt3A_372, %add3A_371, %broadcast_in_dim3A_374 : vector<16xi1>, vector<16xf32>
        %masked_sort3A_376 = arith.constant dense<true> : vector<16xi1>
        %masked_sort3A_377, %masked_sort3A_378, %masked_sort3A_379 = tpu.sort %select_n3A_375, %add3A_362 masked %masked_sort3A_376 : (vector<16xf32>, vector<16xi32>, vector<16xi1>) -> (vector<16xi1>, vector<16xf32>, vector<16xi32>)
        %rev3A_380 = arith.constant 15 : i32
        %rev3A_381 = vector.broadcast %rev3A_380 : i32 to vector<16xi32>
        %rev3A_382 = tpu.iota {dimensions = array<i32: 0>} : vector<16xi32>
        %rev3A_383 = arith.subi %rev3A_381, %rev3A_382 : vector<16xi32>
        %rev3A_384 = tpu.dynamic_gather %masked_sort3A_378[%rev3A_383] in [0] : vector<16xf32>, vector<16xi32> -> vector<16xf32>
        %rev3A_385 = arith.constant 15 : i32
        %rev3A_386 = vector.broadcast %rev3A_385 : i32 to vector<16xi32>
        %rev3A_387 = tpu.iota {dimensions = array<i32: 0>} : vector<16xi32>
        %rev3A_388 = arith.subi %rev3A_386, %rev3A_387 : vector<16xi32>
        %rev3A_389 = tpu.dynamic_gather %masked_sort3A_379[%rev3A_388] in [0] : vector<16xi32>, vector<16xi32> -> vector<16xi32>
        %le3A_390 = arith.cmpf ole, %while3A_245, %rev3A_384 : vector<16xf32>
        %select_n3A_391 = arith.select %le3A_390, %while3A_245, %rev3A_384 : vector<16xi1>, vector<16xf32>
        %select_n3A_392 = arith.select %le3A_390, %while3A_246, %rev3A_389 : vector<16xi1>, vector<16xi32>
        %masked_sort3A_393 = arith.constant dense<true> : vector<16xi1>
        %masked_sort3A_394, %masked_sort3A_395, %masked_sort3A_396 = tpu.sort %select_n3A_391, %select_n3A_392 masked %masked_sort3A_393 : (vector<16xf32>, vector<16xi32>, vector<16xi1>) -> (vector<16xi1>, vector<16xf32>, vector<16xi32>)
        scf.yield %masked_sort3A_281, %masked_sort3A_282, %masked_sort3A_319, %masked_sort3A_320, %masked_sort3A_357, %masked_sort3A_358, %masked_sort3A_395, %masked_sort3A_396 : vector<16xf32>, vector<16xi32>, vector<16xf32>, vector<16xi32>, vector<16xf32>, vector<16xi32>, vector<16xf32>, vector<16xi32>
      }
      %while3A_157 = arith.constant 1 : i32
      %while3A_158:8 = scf.for %while3A_238 = %while3A_154 to %while3A_150 step %while3A_157 iter_args(%while3A_239 = %while3A_156#0, %while3A_240 = %while3A_156#1, %while3A_241 = %while3A_156#2, %while3A_242 = %while3A_156#3, %while3A_243 = %while3A_156#4, %while3A_244 = %while3A_156#5, %while3A_245 = %while3A_156#6, %while3A_246 = %while3A_156#7) -> (vector<16xf32>, vector<16xi32>, vector<16xf32>, vector<16xi32>, vector<16xf32>, vector<16xi32>, vector<16xf32>, vector<16xi32>)  : i32 {
        %mul3A_247 = arith.constant 16 : i32
        %mul3A_248 = arith.muli %while3A_238, %mul3A_247 : i32
        %add3A_249 = arith.addi %and3A_72, %mul3A_248 : i32
        %min3A = arith.minsi %add3A_249, %scan3A : i32
        %broadcast_in_dim3A_250 = vector.broadcast %min3A : i32 to vector<16xi32>
        %add3A_251 = arith.addi %broadcast_in_dim3A_250, %iota3A : vector<16xi32>
        %get3A_252 = arith.index_cast %min3A : i32 to index
        %get3A_253 = tpu.vector_load %arg11[%get3A_252] {strides = array<i32>} : memref<4128xf32, #tpu.memory_space<vmem>>, vector<16xf32>,
        %sub3A_254 = arith.subf %get3A_253, %gather3A_58 : vector<16xf32>
        %get3A_255 = arith.index_cast %min3A : i32 to index
        %get3A_256 = tpu.vector_load %arg12[%get3A_255] {strides = array<i32>} : memref<4128xf32, #tpu.memory_space<vmem>>, vector<16xf32>,
        %sub3A_257 = arith.subf %get3A_256, %gather3A_61 : vector<16xf32>
        %mul3A_258 = arith.mulf %sub3A_254, %sub3A_254 : vector<16xf32>
        %mul3A_259 = arith.mulf %sub3A_257, %sub3A_257 : vector<16xf32>
        %add3A_260 = arith.addf %mul3A_258, %mul3A_259 : vector<16xf32>
        %lt3A_261 = arith.cmpi slt, %add3A_251, %gather3A_67 : vector<16xi32>
        %jit3A_262 = arith.constant 1.000000e+30 : f32
        %broadcast_in_dim3A_263 = vector.broadcast %jit3A_262 : f32 to vector<16xf32>
        %select_n3A_264 = arith.select %lt3A_261, %add3A_260, %broadcast_in_dim3A_263 : vector<16xi1>, vector<16xf32>
        %masked_sort3A = arith.constant dense<true> : vector<16xi1>
        %masked_sort3A_265, %masked_sort3A_266, %masked_sort3A_267 = tpu.sort %select_n3A_264, %add3A_251 masked %masked_sort3A : (vector<16xf32>, vector<16xi32>, vector<16xi1>) -> (vector<16xi1>, vector<16xf32>, vector<16xi32>)
        %rev3A = arith.constant 15 : i32
        %rev3A_268 = vector.broadcast %rev3A : i32 to vector<16xi32>
        %rev3A_269 = tpu.iota {dimensions = array<i32: 0>} : vector<16xi32>
        %rev3A_270 = arith.subi %rev3A_268, %rev3A_269 : vector<16xi32>
        %rev3A_271 = tpu.dynamic_gather %masked_sort3A_266[%rev3A_270] in [0] : vector<16xf32>, vector<16xi32> -> vector<16xf32>
        %rev3A_272 = arith.constant 15 : i32
        %rev3A_273 = vector.broadcast %rev3A_272 : i32 to vector<16xi32>
        %rev3A_274 = tpu.iota {dimensions = array<i32: 0>} : vector<16xi32>
        %rev3A_275 = arith.subi %rev3A_273, %rev3A_274 : vector<16xi32>
        %rev3A_276 = tpu.dynamic_gather %masked_sort3A_267[%rev3A_275] in [0] : vector<16xi32>, vector<16xi32> -> vector<16xi32>
        %le3A = arith.cmpf ole, %while3A_239, %rev3A_271 : vector<16xf32>
        %select_n3A_277 = arith.select %le3A, %while3A_239, %rev3A_271 : vector<16xi1>, vector<16xf32>
        %select_n3A_278 = arith.select %le3A, %while3A_240, %rev3A_276 : vector<16xi1>, vector<16xi32>
        %masked_sort3A_279 = arith.constant dense<true> : vector<16xi1>
        %masked_sort3A_280, %masked_sort3A_281, %masked_sort3A_282 = tpu.sort %select_n3A_277, %select_n3A_278 masked %masked_sort3A_279 : (vector<16xf32>, vector<16xi32>, vector<16xi1>) -> (vector<16xi1>, vector<16xf32>, vector<16xi32>)
        %add3A_283 = arith.addi %and3A_96, %mul3A_248 : i32
        %min3A_284 = arith.minsi %add3A_283, %scan3A : i32
        %broadcast_in_dim3A_285 = vector.broadcast %min3A_284 : i32 to vector<16xi32>
        %add3A_286 = arith.addi %broadcast_in_dim3A_285, %iota3A : vector<16xi32>
        %get3A_287 = arith.index_cast %min3A_284 : i32 to index
        %get3A_288 = tpu.vector_load %arg11[%get3A_287] {strides = array<i32>} : memref<4128xf32, #tpu.memory_space<vmem>>, vector<16xf32>,
        %sub3A_289 = arith.subf %get3A_288, %gather3A_80 : vector<16xf32>
        %get3A_290 = arith.index_cast %min3A_284 : i32 to index
        %get3A_291 = tpu.vector_load %arg12[%get3A_290] {strides = array<i32>} : memref<4128xf32, #tpu.memory_space<vmem>>, vector<16xf32>,
        %sub3A_292 = arith.subf %get3A_291, %gather3A_83 : vector<16xf32>
        %mul3A_293 = arith.mulf %sub3A_289, %sub3A_289 : vector<16xf32>
        %mul3A_294 = arith.mulf %sub3A_292, %sub3A_292 : vector<16xf32>
        %add3A_295 = arith.addf %mul3A_293, %mul3A_294 : vector<16xf32>
        %lt3A_296 = arith.cmpi slt, %add3A_286, %gather3A_89 : vector<16xi32>
        %jit3A_297 = arith.constant 1.000000e+30 : f32
        %broadcast_in_dim3A_298 = vector.broadcast %jit3A_297 : f32 to vector<16xf32>
        %select_n3A_299 = arith.select %lt3A_296, %add3A_295, %broadcast_in_dim3A_298 : vector<16xi1>, vector<16xf32>
        %masked_sort3A_300 = arith.constant dense<true> : vector<16xi1>
        %masked_sort3A_301, %masked_sort3A_302, %masked_sort3A_303 = tpu.sort %select_n3A_299, %add3A_286 masked %masked_sort3A_300 : (vector<16xf32>, vector<16xi32>, vector<16xi1>) -> (vector<16xi1>, vector<16xf32>, vector<16xi32>)
        %rev3A_304 = arith.constant 15 : i32
        %rev3A_305 = vector.broadcast %rev3A_304 : i32 to vector<16xi32>
        %rev3A_306 = tpu.iota {dimensions = array<i32: 0>} : vector<16xi32>
        %rev3A_307 = arith.subi %rev3A_305, %rev3A_306 : vector<16xi32>
        %rev3A_308 = tpu.dynamic_gather %masked_sort3A_302[%rev3A_307] in [0] : vector<16xf32>, vector<16xi32> -> vector<16xf32>
        %rev3A_309 = arith.constant 15 : i32
        %rev3A_310 = vector.broadcast %rev3A_309 : i32 to vector<16xi32>
        %rev3A_311 = tpu.iota {dimensions = array<i32: 0>} : vector<16xi32>
        %rev3A_312 = arith.subi %rev3A_310, %rev3A_311 : vector<16xi32>
        %rev3A_313 = tpu.dynamic_gather %masked_sort3A_303[%rev3A_312] in [0] : vector<16xi32>, vector<16xi32> -> vector<16xi32>
        %le3A_314 = arith.cmpf ole, %while3A_241, %rev3A_308 : vector<16xf32>
        %select_n3A_315 = arith.select %le3A_314, %while3A_241, %rev3A_308 : vector<16xi1>, vector<16xf32>
        %select_n3A_316 = arith.select %le3A_314, %while3A_242, %rev3A_313 : vector<16xi1>, vector<16xi32>
        %masked_sort3A_317 = arith.constant dense<true> : vector<16xi1>
        %masked_sort3A_318, %masked_sort3A_319, %masked_sort3A_320 = tpu.sort %select_n3A_315, %select_n3A_316 masked %masked_sort3A_317 : (vector<16xf32>, vector<16xi32>, vector<16xi1>) -> (vector<16xi1>, vector<16xf32>, vector<16xi32>)
        %add3A_321 = arith.addi %and3A_120, %mul3A_248 : i32
        %min3A_322 = arith.minsi %add3A_321, %scan3A : i32
        %broadcast_in_dim3A_323 = vector.broadcast %min3A_322 : i32 to vector<16xi32>
        %add3A_324 = arith.addi %broadcast_in_dim3A_323, %iota3A : vector<16xi32>
        %get3A_325 = arith.index_cast %min3A_322 : i32 to index
        %get3A_326 = tpu.vector_load %arg11[%get3A_325] {strides = array<i32>} : memref<4128xf32, #tpu.memory_space<vmem>>, vector<16xf32>,
        %sub3A_327 = arith.subf %get3A_326, %gather3A_104 : vector<16xf32>
        %get3A_328 = arith.index_cast %min3A_322 : i32 to index
        %get3A_329 = tpu.vector_load %arg12[%get3A_328] {strides = array<i32>} : memref<4128xf32, #tpu.memory_space<vmem>>, vector<16xf32>,
        %sub3A_330 = arith.subf %get3A_329, %gather3A_107 : vector<16xf32>
        %mul3A_331 = arith.mulf %sub3A_327, %sub3A_327 : vector<16xf32>
        %mul3A_332 = arith.mulf %sub3A_330, %sub3A_330 : vector<16xf32>
        %add3A_333 = arith.addf %mul3A_331, %mul3A_332 : vector<16xf32>
        %lt3A_334 = arith.cmpi slt, %add3A_324, %gather3A_113 : vector<16xi32>
        %jit3A_335 = arith.constant 1.000000e+30 : f32
        %broadcast_in_dim3A_336 = vector.broadcast %jit3A_335 : f32 to vector<16xf32>
        %select_n3A_337 = arith.select %lt3A_334, %add3A_333, %broadcast_in_dim3A_336 : vector<16xi1>, vector<16xf32>
        %masked_sort3A_338 = arith.constant dense<true> : vector<16xi1>
        %masked_sort3A_339, %masked_sort3A_340, %masked_sort3A_341 = tpu.sort %select_n3A_337, %add3A_324 masked %masked_sort3A_338 : (vector<16xf32>, vector<16xi32>, vector<16xi1>) -> (vector<16xi1>, vector<16xf32>, vector<16xi32>)
        %rev3A_342 = arith.constant 15 : i32
        %rev3A_343 = vector.broadcast %rev3A_342 : i32 to vector<16xi32>
        %rev3A_344 = tpu.iota {dimensions = array<i32: 0>} : vector<16xi32>
        %rev3A_345 = arith.subi %rev3A_343, %rev3A_344 : vector<16xi32>
        %rev3A_346 = tpu.dynamic_gather %masked_sort3A_340[%rev3A_345] in [0] : vector<16xf32>, vector<16xi32> -> vector<16xf32>
        %rev3A_347 = arith.constant 15 : i32
        %rev3A_348 = vector.broadcast %rev3A_347 : i32 to vector<16xi32>
        %rev3A_349 = tpu.iota {dimensions = array<i32: 0>} : vector<16xi32>
        %rev3A_350 = arith.subi %rev3A_348, %rev3A_349 : vector<16xi32>
        %rev3A_351 = tpu.dynamic_gather %masked_sort3A_341[%rev3A_350] in [0] : vector<16xi32>, vector<16xi32> -> vector<16xi32>
        %le3A_352 = arith.cmpf ole, %while3A_243, %rev3A_346 : vector<16xf32>
        %select_n3A_353 = arith.select %le3A_352, %while3A_243, %rev3A_346 : vector<16xi1>, vector<16xf32>
        %select_n3A_354 = arith.select %le3A_352, %while3A_244, %rev3A_351 : vector<16xi1>, vector<16xi32>
        %masked_sort3A_355 = arith.constant dense<true> : vector<16xi1>
        %masked_sort3A_356, %masked_sort3A_357, %masked_sort3A_358 = tpu.sort %select_n3A_353, %select_n3A_354 masked %masked_sort3A_355 : (vector<16xf32>, vector<16xi32>, vector<16xi1>) -> (vector<16xi1>, vector<16xf32>, vector<16xi32>)
        %add3A_359 = arith.addi %and3A_144, %mul3A_248 : i32
        %min3A_360 = arith.minsi %add3A_359, %scan3A : i32
        %broadcast_in_dim3A_361 = vector.broadcast %min3A_360 : i32 to vector<16xi32>
        %add3A_362 = arith.addi %broadcast_in_dim3A_361, %iota3A : vector<16xi32>
        %get3A_363 = arith.index_cast %min3A_360 : i32 to index
        %get3A_364 = tpu.vector_load %arg11[%get3A_363] {strides = array<i32>} : memref<4128xf32, #tpu.memory_space<vmem>>, vector<16xf32>,
        %sub3A_365 = arith.subf %get3A_364, %gather3A_128 : vector<16xf32>
        %get3A_366 = arith.index_cast %min3A_360 : i32 to index
        %get3A_367 = tpu.vector_load %arg12[%get3A_366] {strides = array<i32>} : memref<4128xf32, #tpu.memory_space<vmem>>, vector<16xf32>,
        %sub3A_368 = arith.subf %get3A_367, %gather3A_131 : vector<16xf32>
        %mul3A_369 = arith.mulf %sub3A_365, %sub3A_365 : vector<16xf32>
        %mul3A_370 = arith.mulf %sub3A_368, %sub3A_368 : vector<16xf32>
        %add3A_371 = arith.addf %mul3A_369, %mul3A_370 : vector<16xf32>
        %lt3A_372 = arith.cmpi slt, %add3A_362, %gather3A_137 : vector<16xi32>
        %jit3A_373 = arith.constant 1.000000e+30 : f32
        %broadcast_in_dim3A_374 = vector.broadcast %jit3A_373 : f32 to vector<16xf32>
        %select_n3A_375 = arith.select %lt3A_372, %add3A_371, %broadcast_in_dim3A_374 : vector<16xi1>, vector<16xf32>
        %masked_sort3A_376 = arith.constant dense<true> : vector<16xi1>
        %masked_sort3A_377, %masked_sort3A_378, %masked_sort3A_379 = tpu.sort %select_n3A_375, %add3A_362 masked %masked_sort3A_376 : (vector<16xf32>, vector<16xi32>, vector<16xi1>) -> (vector<16xi1>, vector<16xf32>, vector<16xi32>)
        %rev3A_380 = arith.constant 15 : i32
        %rev3A_381 = vector.broadcast %rev3A_380 : i32 to vector<16xi32>
        %rev3A_382 = tpu.iota {dimensions = array<i32: 0>} : vector<16xi32>
        %rev3A_383 = arith.subi %rev3A_381, %rev3A_382 : vector<16xi32>
        %rev3A_384 = tpu.dynamic_gather %masked_sort3A_378[%rev3A_383] in [0] : vector<16xf32>, vector<16xi32> -> vector<16xf32>
        %rev3A_385 = arith.constant 15 : i32
        %rev3A_386 = vector.broadcast %rev3A_385 : i32 to vector<16xi32>
        %rev3A_387 = tpu.iota {dimensions = array<i32: 0>} : vector<16xi32>
        %rev3A_388 = arith.subi %rev3A_386, %rev3A_387 : vector<16xi32>
        %rev3A_389 = tpu.dynamic_gather %masked_sort3A_379[%rev3A_388] in [0] : vector<16xi32>, vector<16xi32> -> vector<16xi32>
        %le3A_390 = arith.cmpf ole, %while3A_245, %rev3A_384 : vector<16xf32>
        %select_n3A_391 = arith.select %le3A_390, %while3A_245, %rev3A_384 : vector<16xi1>, vector<16xf32>
        %select_n3A_392 = arith.select %le3A_390, %while3A_246, %rev3A_389 : vector<16xi1>, vector<16xi32>
        %masked_sort3A_393 = arith.constant dense<true> : vector<16xi1>
        %masked_sort3A_394, %masked_sort3A_395, %masked_sort3A_396 = tpu.sort %select_n3A_391, %select_n3A_392 masked %masked_sort3A_393 : (vector<16xf32>, vector<16xi32>, vector<16xi1>) -> (vector<16xi1>, vector<16xf32>, vector<16xi32>)
        scf.yield %masked_sort3A_281, %masked_sort3A_282, %masked_sort3A_319, %masked_sort3A_320, %masked_sort3A_357, %masked_sort3A_358, %masked_sort3A_395, %masked_sort3A_396 : vector<16xf32>, vector<16xi32>, vector<16xf32>, vector<16xi32>, vector<16xf32>, vector<16xi32>, vector<16xf32>, vector<16xi32>
      }
      %add3A_159 = arith.constant 0 : i32
      %add3A_160 = arith.addi %mul3A_24, %add3A_159 : i32
      %sub3A_161 = arith.subi %gather3A_67, %gather3A_64 : vector<16xi32>
      %sub3A_162 = arith.subi %iota3A, %sub3A_161 : vector<16xi32>
      %lt3A = arith.cmpi slt, %sub3A_162, %gather3A_64 : vector<16xi32>
      %sub3A_163 = arith.subi %sub3A_162, %gather3A_64 : vector<16xi32>
      %add3A_164 = arith.addi %gather3A_67, %sub3A_163 : vector<16xi32>
      %select_n3A_165 = arith.select %lt3A, %sub3A_162, %add3A_164 : vector<16xi1>, vector<16xi32>
      %lt3A_166 = arith.cmpi slt, %iota3A, %sub3A_161 : vector<16xi32>
      %select_n3A_167 = arith.select %lt3A_166, %while3A_158#1, %select_n3A_165 : vector<16xi1>, vector<16xi32>
      %mul3A_168 = arith.constant 16 : i32
      %mul3A_169 = arith.muli %add3A_160, %mul3A_168 : i32
      %swap3A = arith.index_cast %mul3A_169 : i32 to index
      %swap3A_170 = tpu.vector_load %arg19[%swap3A] {strides = array<i32>} : memref<4096xi32, #tpu.memory_space<vmem>>, vector<16xi32>,
      tpu.vector_store %arg19[%swap3A], %select_n3A_167 {strides = array<i32>} : memref<4096xi32, #tpu.memory_space<vmem>>, vector<16xi32>,
      %add3A_171 = arith.addi %mul3A_2, %add3A_160 : i32
      %broadcast_in_dim3A_172 = vector.broadcast %add3A_171 : i32 to vector<16xi32>
      %mul3A_173 = arith.constant 16 : i32
      %mul3A_174 = arith.muli %add3A_160, %mul3A_173 : i32
      %swap3A_175 = arith.index_cast %mul3A_174 : i32 to index
      %swap3A_176 = tpu.vector_load %arg20[%swap3A_175] {strides = array<i32>} : memref<4096xi32, #tpu.memory_space<vmem>>, vector<16xi32>,
      tpu.vector_store %arg20[%swap3A_175], %broadcast_in_dim3A_172 {strides = array<i32>} : memref<4096xi32, #tpu.memory_space<vmem>>, vector<16xi32>,
      %add3A_177 = arith.constant 1 : i32
      %add3A_178 = arith.addi %mul3A_24, %add3A_177 : i32
      %sub3A_179 = arith.subi %gather3A_89, %gather3A_86 : vector<16xi32>
      %sub3A_180 = arith.subi %iota3A, %sub3A_179 : vector<16xi32>
      %lt3A_181 = arith.cmpi slt, %sub3A_180, %gather3A_86 : vector<16xi32>
      %sub3A_182 = arith.subi %sub3A_180, %gather3A_86 : vector<16xi32>
      %add3A_183 = arith.addi %gather3A_89, %sub3A_182 : vector<16xi32>
      %select_n3A_184 = arith.select %lt3A_181, %sub3A_180, %add3A_183 : vector<16xi1>, vector<16xi32>
      %lt3A_185 = arith.cmpi slt, %iota3A, %sub3A_179 : vector<16xi32>
      %select_n3A_186 = arith.select %lt3A_185, %while3A_158#3, %select_n3A_184 : vector<16xi1>, vector<16xi32>
      %mul3A_187 = arith.constant 16 : i32
      %mul3A_188 = arith.muli %add3A_178, %mul3A_187 : i32
      %swap3A_189 = arith.index_cast %mul3A_188 : i32 to index
      %swap3A_190 = tpu.vector_load %arg19[%swap3A_189] {strides = array<i32>} : memref<4096xi32, #tpu.memory_space<vmem>>, vector<16xi32>,
      tpu.vector_store %arg19[%swap3A_189], %select_n3A_186 {strides = array<i32>} : memref<4096xi32, #tpu.memory_space<vmem>>, vector<16xi32>,
      %add3A_191 = arith.addi %mul3A_2, %add3A_178 : i32
      %broadcast_in_dim3A_192 = vector.broadcast %add3A_191 : i32 to vector<16xi32>
      %mul3A_193 = arith.constant 16 : i32
      %mul3A_194 = arith.muli %add3A_178, %mul3A_193 : i32
      %swap3A_195 = arith.index_cast %mul3A_194 : i32 to index
      %swap3A_196 = tpu.vector_load %arg20[%swap3A_195] {strides = array<i32>} : memref<4096xi32, #tpu.memory_space<vmem>>, vector<16xi32>,
      tpu.vector_store %arg20[%swap3A_195], %broadcast_in_dim3A_192 {strides = array<i32>} : memref<4096xi32, #tpu.memory_space<vmem>>, vector<16xi32>,
      %add3A_197 = arith.constant 2 : i32
      %add3A_198 = arith.addi %mul3A_24, %add3A_197 : i32
      %sub3A_199 = arith.subi %gather3A_113, %gather3A_110 : vector<16xi32>
      %sub3A_200 = arith.subi %iota3A, %sub3A_199 : vector<16xi32>
      %lt3A_201 = arith.cmpi slt, %sub3A_200, %gather3A_110 : vector<16xi32>
      %sub3A_202 = arith.subi %sub3A_200, %gather3A_110 : vector<16xi32>
      %add3A_203 = arith.addi %gather3A_113, %sub3A_202 : vector<16xi32>
      %select_n3A_204 = arith.select %lt3A_201, %sub3A_200, %add3A_203 : vector<16xi1>, vector<16xi32>
      %lt3A_205 = arith.cmpi slt, %iota3A, %sub3A_199 : vector<16xi32>
      %select_n3A_206 = arith.select %lt3A_205, %while3A_158#5, %select_n3A_204 : vector<16xi1>, vector<16xi32>
      %mul3A_207 = arith.constant 16 : i32
      %mul3A_208 = arith.muli %add3A_198, %mul3A_207 : i32
      %swap3A_209 = arith.index_cast %mul3A_208 : i32 to index
      %swap3A_210 = tpu.vector_load %arg19[%swap3A_209] {strides = array<i32>} : memref<4096xi32, #tpu.memory_space<vmem>>, vector<16xi32>,
      tpu.vector_store %arg19[%swap3A_209], %select_n3A_206 {strides = array<i32>} : memref<4096xi32, #tpu.memory_space<vmem>>, vector<16xi32>,
      %add3A_211 = arith.addi %mul3A_2, %add3A_198 : i32
      %broadcast_in_dim3A_212 = vector.broadcast %add3A_211 : i32 to vector<16xi32>
      %mul3A_213 = arith.constant 16 : i32
      %mul3A_214 = arith.muli %add3A_198, %mul3A_213 : i32
      %swap3A_215 = arith.index_cast %mul3A_214 : i32 to index
      %swap3A_216 = tpu.vector_load %arg20[%swap3A_215] {strides = array<i32>} : memref<4096xi32, #tpu.memory_space<vmem>>, vector<16xi32>,
      tpu.vector_store %arg20[%swap3A_215], %broadcast_in_dim3A_212 {strides = array<i32>} : memref<4096xi32, #tpu.memory_space<vmem>>, vector<16xi32>,
      %add3A_217 = arith.constant 3 : i32
      %add3A_218 = arith.addi %mul3A_24, %add3A_217 : i32
      %sub3A_219 = arith.subi %gather3A_137, %gather3A_134 : vector<16xi32>
      %sub3A_220 = arith.subi %iota3A, %sub3A_219 : vector<16xi32>
      %lt3A_221 = arith.cmpi slt, %sub3A_220, %gather3A_134 : vector<16xi32>
      %sub3A_222 = arith.subi %sub3A_220, %gather3A_134 : vector<16xi32>
      %add3A_223 = arith.addi %gather3A_137, %sub3A_222 : vector<16xi32>
      %select_n3A_224 = arith.select %lt3A_221, %sub3A_220, %add3A_223 : vector<16xi1>, vector<16xi32>
      %lt3A_225 = arith.cmpi slt, %iota3A, %sub3A_219 : vector<16xi32>
      %select_n3A_226 = arith.select %lt3A_225, %while3A_158#7, %select_n3A_224 : vector<16xi1>, vector<16xi32>
      %mul3A_227 = arith.constant 16 : i32
      %mul3A_228 = arith.muli %add3A_218, %mul3A_227 : i32
      %swap3A_229 = arith.index_cast %mul3A_228 : i32 to index
      %swap3A_230 = tpu.vector_load %arg19[%swap3A_229] {strides = array<i32>} : memref<4096xi32, #tpu.memory_space<vmem>>, vector<16xi32>,
      tpu.vector_store %arg19[%swap3A_229], %select_n3A_226 {strides = array<i32>} : memref<4096xi32, #tpu.memory_space<vmem>>, vector<16xi32>,
      %add3A_231 = arith.addi %mul3A_2, %add3A_218 : i32
      %broadcast_in_dim3A_232 = vector.broadcast %add3A_231 : i32 to vector<16xi32>
      %mul3A_233 = arith.constant 16 : i32
      %mul3A_234 = arith.muli %add3A_218, %mul3A_233 : i32
      %swap3A_235 = arith.index_cast %mul3A_234 : i32 to index
      %swap3A_236 = tpu.vector_load %arg20[%swap3A_235] {strides = array<i32>} : memref<4096xi32, #tpu.memory_space<vmem>>, vector<16xi32>,
      tpu.vector_store %arg20[%swap3A_235], %broadcast_in_dim3A_232 {strides = array<i32>} : memref<4096xi32, #tpu.memory_space<vmem>>, vector<16xi32>,
      %scan3A_237 = arith.constant 0 : i32
      scf.yield %scan3A_237 : i32
    }
    %scan3A_15 = arith.constant 64 : i32
    %mul3A_16 = arith.constant 16 : i32
    %mul3A_17 = arith.muli %mul3A_2, %mul3A_16 : i32
    %run_scoped3A = arith.constant 0 : i32
    "tpu.region"() ({
      %run_scoped3A_21 = tpu.sem_alloc : memref<!tpu.dma_semaphore, #tpu.memory_space<semaphore_mem>>
      %dma_start3A = tpu.memref_slice %arg10[%run_scoped3A, %mul3A_17] : memref<2x131072xi32, #tpu.memory_space<hbm>> -> memref<1x4096xi32, #tpu.memory_space<hbm>>
      %dma_start3A_22 = tpu.memref_squeeze %dma_start3A : memref<1x4096xi32, #tpu.memory_space<hbm>> -> memref<4096xi32, #tpu.memory_space<hbm>>
      %dma_start3A_23 = tpu.memref_slice %arg10[%run_scoped3A, %mul3A_17] : memref<2x131072xi32, #tpu.memory_space<hbm>> -> memref<1x4096xi32, #tpu.memory_space<hbm>>
      %dma_start3A_24 = tpu.memref_squeeze %dma_start3A_23 : memref<1x4096xi32, #tpu.memory_space<hbm>> -> memref<4096xi32, #tpu.memory_space<hbm>>
      tpu.enqueue_dma source(%arg19 : memref<4096xi32, #tpu.memory_space<vmem>>) target(%dma_start3A_24 : memref<4096xi32, #tpu.memory_space<hbm>>) target_semaphore(%run_scoped3A_21 : memref<!tpu.dma_semaphore, #tpu.memory_space<semaphore_mem>>)
      %dma_wait3A = tpu.memref_slice %arg10[%run_scoped3A, %mul3A_17] : memref<2x131072xi32, #tpu.memory_space<hbm>> -> memref<1x4096xi32, #tpu.memory_space<hbm>>
      %dma_wait3A_25 = tpu.memref_squeeze %dma_wait3A : memref<1x4096xi32, #tpu.memory_space<hbm>> -> memref<4096xi32, #tpu.memory_space<hbm>>
      %dma_wait3A_26 = tpu.memref_slice %arg10[%run_scoped3A, %mul3A_17] : memref<2x131072xi32, #tpu.memory_space<hbm>> -> memref<1x4096xi32, #tpu.memory_space<hbm>>
      %dma_wait3A_27 = tpu.memref_squeeze %dma_wait3A_26 : memref<1x4096xi32, #tpu.memory_space<hbm>> -> memref<4096xi32, #tpu.memory_space<hbm>>
      tpu.wait_dma2 semaphore(%run_scoped3A_21 : memref<!tpu.dma_semaphore, #tpu.memory_space<semaphore_mem>>) src(%arg19 : memref<4096xi32, #tpu.memory_space<vmem>>) dst(%dma_wait3A_27 : memref<4096xi32, #tpu.memory_space<hbm>>)
      tpu.yield
    }) : () -> ()
    %mul3A_18 = arith.constant 16 : i32
    %mul3A_19 = arith.muli %mul3A_2, %mul3A_18 : i32
    %run_scoped3A_20 = arith.constant 1 : i32
    "tpu.region"() ({
      %run_scoped3A_21 = tpu.sem_alloc : memref<!tpu.dma_semaphore, #tpu.memory_space<semaphore_mem>>
      %dma_start3A = tpu.memref_slice %arg10[%run_scoped3A_20, %mul3A_19] : memref<2x131072xi32, #tpu.memory_space<hbm>> -> memref<1x4096xi32, #tpu.memory_space<hbm>>
      %dma_start3A_22 = tpu.memref_squeeze %dma_start3A : memref<1x4096xi32, #tpu.memory_space<hbm>> -> memref<4096xi32, #tpu.memory_space<hbm>>
      %dma_start3A_23 = tpu.memref_slice %arg10[%run_scoped3A_20, %mul3A_19] : memref<2x131072xi32, #tpu.memory_space<hbm>> -> memref<1x4096xi32, #tpu.memory_space<hbm>>
      %dma_start3A_24 = tpu.memref_squeeze %dma_start3A_23 : memref<1x4096xi32, #tpu.memory_space<hbm>> -> memref<4096xi32, #tpu.memory_space<hbm>>
      tpu.enqueue_dma source(%arg20 : memref<4096xi32, #tpu.memory_space<vmem>>) target(%dma_start3A_24 : memref<4096xi32, #tpu.memory_space<hbm>>) target_semaphore(%run_scoped3A_21 : memref<!tpu.dma_semaphore, #tpu.memory_space<semaphore_mem>>)
      %dma_wait3A = tpu.memref_slice %arg10[%run_scoped3A_20, %mul3A_19] : memref<2x131072xi32, #tpu.memory_space<hbm>> -> memref<1x4096xi32, #tpu.memory_space<hbm>>
      %dma_wait3A_25 = tpu.memref_squeeze %dma_wait3A : memref<1x4096xi32, #tpu.memory_space<hbm>> -> memref<4096xi32, #tpu.memory_space<hbm>>
      %dma_wait3A_26 = tpu.memref_slice %arg10[%run_scoped3A_20, %mul3A_19] : memref<2x131072xi32, #tpu.memory_space<hbm>> -> memref<1x4096xi32, #tpu.memory_space<hbm>>
      %dma_wait3A_27 = tpu.memref_squeeze %dma_wait3A_26 : memref<1x4096xi32, #tpu.memory_space<hbm>> -> memref<4096xi32, #tpu.memory_space<hbm>>
      tpu.wait_dma2 semaphore(%run_scoped3A_21 : memref<!tpu.dma_semaphore, #tpu.memory_space<semaphore_mem>>) src(%arg20 : memref<4096xi32, #tpu.memory_space<vmem>>) dst(%dma_wait3A_27 : memref<4096xi32, #tpu.memory_space<hbm>>)
      tpu.yield
    }) : () -> ()
    return
  }
}

</mosaic_0001>

<sc_bundles>
// kernel: kernel.3.cloned.1.call-start
scs
__scs_entry_jumppad:
0x0: {  	(pc) =	sbr.rel $0x88, $3  }
0x1: {  	(tag) =	ssettag $0x0;
	lr =	simm.s32 $0x1  }
0x2: {  	[smem:$0x3F9C] =	sst lr;
	_ =	strace $0xD0000000  }
0x3: {  	_ = 	snop  }
0x4: {  	_ = 	snop  }
0x5: {  	_ = 	snop  }
0x6: {  	_ = 	snop  }
0x7: {  	_ = 	snop  }
__scs_overlays_trampoline_lowered:
0x8: {  	[smem:$0x3FAB] =	sst s0  }
0x9: {  	[smem:$0x3FAC] =	sst s1  }
0xa: {  	[smem:$0x3FAD] =	sst s2  }
0xb: {  	[smem:$0x3FAE] =	sst s3  }
0xc: {  	[smem:$0x3FAF] =	sst s4  }
0xd: {  	[smem:$0x3FB0] =	sst s5  }
0xe: {  	[smem:$0x3FB1] =	sst s6  }
0xf: {  	[smem:$0x3FB2] =	sst s7  }
0x10: {  	[smem:$0x3FB3] =	sst s8  }
0x11: {  	[smem:$0x3FB4] =	sst s9;
	s0 =	simm.s32 @!p0 $0x0  }
0x12: {  	s1 =	sld [smem:$0x3F9A];
	s0 =	simm.s32 @p0 $0x1  }
0x13: {  	[smem:$0x3FB5] =	sst s0;
	s0 =	simm.s32 @!p1 $0x0  }
0x14: {  	s2 =	sld [smem:$0x3F99];
	s0 =	simm.s32 @p1 $0x1  }
0x15: {  	[smem:$0x3FB6] =	sst s0;
	s0 =	simm.s32 @!p2 $0x0  }
0x16: {  	s3 =	sld [smem:$0x3FDB];
	s0 =	simm.s32 @p2 $0x1  }
0x17: {  	s4 =	simm.s32 $0x1BF5;
	[smem:$0x3FB8] =	sst s0  }
0x18: {  	s0 =	sld [smem:$0x3F9B];
	_ =	swait.ge [sflag:s4], $0x0  }
0x19: {  	s7 =	sld [smem:$0x3F9C]  }
0x1a: {  	s8 =	sadd.s32 $0xFFFFE003, lr  }
0x1b: {  	s9 =	sadd.s32 $0xFFFFFEF7, lr;
	s5 =	simm.s32 $0xFFFFFFFF;
	p2 =	slt.u32 s8, $0xFFFFF086  }
0x1c: {  	p1 =	slt.u32 s9, $0xF7A;
	s5 =	simm.s32 @!p2 $0x0  }
0x1d: {  	s5 =	simm.s32 @p1 $0x1;
	p0 =	seq.s32 s7, s2  }
0x1e: {  	s7 =	smul.u32 @!p0 $0xF7A, s2;
	p2 =	seq.s32 @!p0 s5, $0x0  }
0x1f: {  	s9 =	smul.u32 $0xF7A, s1;
	s8 =	simm.s32 @!p0 $0x1BF5;
	p2 =	por !p2, p0  }
0x20: {  	[sflag:s8] =	ssyncset.s32 @!p0 $0xFFFFF086;
	s6 =	sadd.s32 @!p0 s3, s7;
	s7 =	simm.s32 @!p0 $0x108  }
0x21: {  	s3 =	sadd.s32 s3, s9;
	s6 =	sadd.s32 @!p0 $0x88, s6;
	s7 =	simm.s32 @p2 $0x1082  }
0x22: {  	[simem:s7], [sflag:s8] =	dma.local @!p0 [hbm:s6], $0xF7A  }
0x23: {  	s9 =	sor.u32 $0xD0000000, s2;
	s6 =	simm.s32 $0x108;
	_ =	swait.ge @!p0 [sflag:s8], $0x0  }
0x24: {  	s3 =	sadd.s32 $0x88, s3;
	s6 =	simm.s32 @!p1 $0x1082;
	[sflag:s4] =	ssyncset.s32 $0xFFFFF086  }
0x25: {  	[simem:s6], [sflag:s4] =	dma.local [hbm:s3], $0xF7A  }
0x26: {  	[smem:$0x3F9C] =	sst s1;
	(tag) =	ssettag s2;
	_ =	strace s9  }
0x27: {  	s1 =	sld [smem:$0x3FAC]  }
0x28: {  	s2 =	sld [smem:$0x3FAD]  }
0x29: {  	s4 =	sld [smem:$0x3FAF]  }
0x2a: {  	p0 =	seq.s32 s5, $0x0;
	s5 =	sld [smem:$0x3FB0]  }
0x2b: {  	s6 =	sld [smem:$0x3FB1]  }
0x2c: {  	s7 =	sld [smem:$0x3FB2]  }
0x2d: {  	s3 =	simm.s32 $0x108;
	s8 =	sld [smem:$0x3FB3]  }
0x2e: {  	s3 =	simm.s32 @!p0 $0x1082;
	s9 =	sld [smem:$0x3FB4]  }
0x2f: {  	lr =	sadd.s32 s0, s3;
	s0 =	sld [smem:$0x3FAB]  }
0x30: {  	s3 =	sld [smem:$0x3FAE]  }
0x31: {  	[smem:$0x3FB7] =	sst s10  }
0x32: {  	s10 =	sld [smem:$0x3FB5];
	_ =	sdelay $0x3  }
0x33: {  	p0 =	seq.s32 s10, $0x1;
	s10 =	sld [smem:$0x3FB7];
	_ =	sdelay $0x3  }
0x34: {  	[smem:$0x3FB7] =	sst s10  }
0x35: {  	s10 =	sld [smem:$0x3FB6];
	_ =	sdelay $0x3  }
0x36: {  	p1 =	seq.s32 s10, $0x1;
	s10 =	sld [smem:$0x3FB7];
	_ =	sdelay $0x3  }
0x37: {  	[smem:$0x3FB7] =	sst s10  }
0x38: {  	s10 =	sld [smem:$0x3FB8]  }
0x39: {  	_ = 	snop;
	(pc) =	sbr.ind lr, $3  }
0x3a: {  	_ = 	snop  }
0x3b: {  	_ = 	snop  }
0x3c: {  	p2 =	seq.s32 s10, $0x1;
	s10 =	sld [smem:$0x3FB7]  }
0x3d: {  	_ =	shalt  }
0x3e: {  	_ =	shalt  }
0x3f: {  	_ =	shalt  }
0x40: {  	_ =	shalt  }
0x41: {  	_ =	shalt  }
0x42: {  	_ =	shalt  }
0x43: {  	_ =	shalt  }
0x44: {  	_ =	shalt  }
0x45: {  	_ =	shalt  }
0x46: {  	_ =	shalt  }
0x47: {  	_ =	shalt  }
0x48: {  	_ =	shalt  }
0x49: {  	_ =	shalt  }
0x4a: {  	_ =	shalt  }
0x4b: {  	_ =	shalt  }
0x4c: {  	_ =	shalt  }
0x4d: {  	_ =	shalt  }
0x4e: {  	_ =	shalt  }
0x4f: {  	_ =	shalt  }
0x50: {  	_ =	shalt  }
0x51: {  	_ =	shalt  }
0x52: {  	_ =	shalt  }
0x53: {  	_ =	shalt  }
0x54: {  	_ =	shalt  }
0x55: {  	_ =	shalt  }
0x56: {  	_ =	shalt  }
0x57: {  	_ =	shalt  }
0x58: {  	_ =	shalt  }
0x59: {  	_ =	shalt  }
0x5a: {  	_ =	shalt  }
0x5b: {  	_ =	shalt  }
0x5c: {  	_ =	shalt  }
0x5d: {  	_ =	shalt  }
0x5e: {  	_ =	shalt  }
0x5f: {  	_ =	shalt  }
0x60: {  	_ =	shalt  }
0x61: {  	_ =	shalt  }
0x62: {  	_ =	shalt  }
0x63: {  	_ =	shalt  }
0x64: {  	_ =	shalt  }
0x65: {  	_ =	shalt  }
0x66: {  	_ =	shalt  }
0x67: {  	_ =	shalt  }
0x68: {  	_ =	shalt  }
0x69: {  	_ =	shalt  }
0x6a: {  	_ =	shalt  }
0x6b: {  	_ =	shalt  }
0x6c: {  	_ =	shalt  }
0x6d: {  	_ =	shalt  }
0x6e: {  	_ =	shalt  }
0x6f: {  	_ =	shalt  }
0x70: {  	_ =	shalt  }
0x71: {  	_ =	shalt  }
0x72: {  	_ =	shalt  }
0x73: {  	_ =	shalt  }
0x74: {  	_ =	shalt  }
0x75: {  	_ =	shalt  }
0x76: {  	_ =	shalt  }
0x77: {  	_ =	shalt  }
0x78: {  	_ =	shalt  }
0x79: {  	_ =	shalt  }
0x7a: {  	_ =	shalt  }
0x7b: {  	_ =	shalt  }
0x7c: {  	_ =	shalt  }
0x7d: {  	_ =	shalt  }
0x7e: {  	_ =	shalt  }
0x7f: {  	_ =	shalt  }
0x80: {  	_ =	shalt  }
0x81: {  	_ =	shalt  }
0x82: {  	_ =	shalt  }
0x83: {  	_ =	shalt  }
0x84: {  	_ =	shalt  }
0x85: {  	_ =	shalt  }
0x86: {  	_ =	shalt  }
0x87: {  	_ =	shalt  }
.Lfunc_end0:
.L_simem_size_0:
called_computation_lowered:
.L_overlay_start_0:
0x88: {  	s2 =	sld [smem:$0x3FD9]  }
0x89: {  	s3 =	sld [smem:$0x3FFE];
	_ =	sdelay $0x1  }
0x8a: {  	s1 =	srdreg.scid  }
0x8b: {  	s0 =	sand.u32 $0x1, s1  }
0x8c: {  	s17 =	sshll.u32 s0, $0xA;
	s2 =	sadd.s32 s3, s2  }
0x8d: {  	s2 =	sadd.s32 s2, s17  }
0x8e: {  	[smem:$0x3FC3] =	sst s2  }
0x8f: {  	_ = 	snop  }
0x90: {  	s2 =	sld [smem:$0x3FC7]  }
0x91: {  	s18 =	sld [smem:$0x3FD0];
	(tm) =	ssettm $0x1  }
0x92: {  	s4 =	sld [smem:$0x3FFB];
	_ =	sdelay $0x3  }
0x93: {  	_ =	strace s4  }
0x94: {  	s4 =	sld [smem:$0x3FFC];
	_ =	sdelay $0x3  }
0x95: {  	_ =	strace s4  }
0x96: {  	s4 =	sld [smem:$0x3FFD];
	_ =	sdelay $0x3  }
0x97: {  	_ =	strace s4  }
0x98: {  	_ =	strace $0x8FFFFFFF  }
0x99: {  	s19 =	sld [smem:$0x3FDB];
	_ =	sdelay $0x1  }
0x9a: {  	s5 =	simm.s32 $_scs_section_size  }
0x9b: {  	s6 =	simm.s32 $_size__tile_overlayer_lowered;
	s7 =	simm.s32 $_tile_overlayer_lowered  }
0x9c: {  	s22 =	simm.s32 $0x1BFF;
	s21 =	sshll.u32 s7, $0x1;
	s4 =	sadd.s32 s5, s19  }
0x9d: {  	s8 =	simm.s32 $0x0;
	s20 =	sshll.u32 s6, $0x1;
	s6 =	sadd.s32 s21, s4  }
0x9e: {  	[timem:s8], [sflag:s22] =	dma.local [hbm:s6], s20  }
0x9f: {  	_ =	swait.ge [sflag:s22], s20  }
0xa0: {  	s5 =	ssub.s32 $0x0, s20;
	[sflag:s22] =	ssyncset.done $0x0  }
0xa1: {  	[sflag:s22] =	ssyncadd.s32 s5;
	_ =	sdelay $0x1  }
0xa2: {  	s23 =	simm.s32 $0x1B8B  }
0xa3: {  	_ =	swait.ge [sflag:s23], $0x1  }
0xa4: {  	[sflag:s23] =	ssyncset.done $0x0  }
0xa5: {  	s25 =	simm.s32 $0x1B8E;
	s24 =	sld [smem:$0x3FFE];
	[sflag:s23] =	ssyncadd.s32 $0xFFFFFFFF  }
0xa6: {  	s26 =	simm.s32 $execute0_lowered;
	[smem:$0x3FD2] =	sst s25  }
0xa7: {  	s6 =	sshll.u32 s26, $0x1;
	_ =	strace $0x80000046;
	[dreg:$0x1] =	wrdreg $0xFFFFFFFF  }
0xa8: {  	s28 =	simm.s32 $_size_execute0_lowered;
	s4 =	sadd.s32 s4, s6;
	[dreg:$0x0] =	wrdreg $0x0  }
0xa9: {  	s6 =	sshll.u32 s28, $0x1;
	[dreg:$0x2] =	wrdreg s4  }
0xaa: {  	[dreg:$0x3] =	wrdreg s6  }
0xab: {  	[dreg:$0x4] =	wrdreg $0xC0  }
0xac: {  	_ =	task [dreg:s8], $0x5FFFF  }
0xad: {  	[dreg:$0x1] =	wrdreg $0xFFFFFFFF  }
0xae: {  	[dreg:$0x0] =	wrdreg $0x60  }
0xaf: {  	[dreg:$0x2] =	wrdreg s24  }
0xb0: {  	[dreg:$0x3] =	wrdreg s2  }
0xb1: {  	[dreg:$0x4] =	wrdreg s18  }
0xb2: {  	[dreg:$0x5] =	wrdreg $0x9  }
0xb3: {  	_ =	task.clear_ibuf [dreg:s8], $0x6FFFF;
	_ =	strace $0x90000046  }
0xb4: {  	s29 =	simm.s32 $0x9;
	_ =	strace $0x80000048  }
0xb5: {  	_ =	swait.ge [sflag:s29], $0x1  }
0xb6: {  	[sflag:s29] =	ssyncadd.s32 $0xFFFFFFFF  }
0xb7: {  	_ =	strace $0x90000048  }
0xb8: {  	_ =	sfence  }
0xb9: {  	s30 =	sld [smem:$0x0];
	_ =	sdelay $0x2  }
0xba: {  	s31 =	sshll.u32 s1, $0xD;
	s1 =	sshrl.u32 s1, $0x2  }
0xbb: {  	s3 =	sand.u32 $0x4000, s31;
	s1 =	sadd.s32 s1, s30  }
0xbc: {  	s0 =	sor.u32 s3, s0;
	s1 =	sshll.u32 s1, $0x11  }
0xbd: {  	s0 =	sor.u32 s1, s0  }
0xbe: {  	s0 =	sadd.s32 $0x8F2B, s0  }
0xbf: {  	[sflag:s0] =	ssyncadd.remote.s32 $0x1  }
0xc0: {  	_ =	sfence.sel $0xFFFF  }
0xc1: {  	[dreg:$0x0] =	wrdreg $0xFFFFFFFF;
	(pc) =	sbr.abs _section_cstart, $3  }
0xc2: {  	[dreg:$0x1] =	wrdreg $0xFFFFFFFF  }
0xc3: {  	_ =	task.clear_ibuf [dreg:s8], $0x2FFFF;
	_ =	strace $0x9FFFFFFF  }
0xc4: {  	(tm) =	ssettm $0x7FFFFFFF  }
0xc5: {  	_ =	shalt  }
tec
execute0_lowered:
.L_overlay_start_1:
0x0: {  	(tag) =	ssettag $0x1  }
0x1: {  	s0 =	rddreg [dreg:$0x0]  }
0x2: {  	s1 =	rddreg [dreg:$0x1]  }
0x3: {  	s12 =	rddreg [dreg:$0x2]  }
0x4: {  	s3 =	srdreg.scid;
	s5 =	stileid.u32;
	s2 =	simm.s32 $0x0  }
0x5: {  	s15 =	simm.s32 $0x1;
	s23 =	simm.s32 $0x80;
	s24 =	simm.s32 $0x100  }
0x6: {  	s25 =	simm.s32 $0x2600;
	s26 =	simm.s32 $0x3600;
	s28 =	simm.s32 $0x0  }
0x7: {  	s4 =	sand.u32 $0x1, s3;
	s30 =	sshll.u32 s5, $0x1;
	[smem:$0x7FF] =	sst s2  }
0x8: {  	s3 =	sadd.s32 $0x2200, s0;
	s5 =	sadd.s32 $0x1C00, s0;
	s6 =	sadd.s32 $0x1A00, s0  }
0x9: {  	s10 =	sor.u32 s4, s30;
	_ =	strace $0x80000047;
	s7 =	ssub.s32 $0x2, s4  }
.Ltmp0:
0xa: {  	s4 =	sadd.s32 $0x2600, s0;
	s11 =	sshll.u32 s10, $0x5;
	(pc) =	sbr.rel .LBB2_1-.Ltmp0, $4  }
0xb: {  	v0 =	vlaneseq.u32;
	s8 =	sshrl.u32 s7, $0x1;
	s14 =	sshll.u32 s10, $0xA;
	s13 =	sadd.s32 s11, s0  }
0xc: {  	v1 =	vmul.u32 $0xFFFFFFFF, v0;
	s31 =	ssub.s32 s7, s8;
	s7 =	sshll.u32 s10, $0x8;
	s11 =	sadd.s32 s1, s11  }
0xd: {  	s12 =	sadd.s32 s12, s14;
	s8 =	sadd.s32 $0x2E00, s13;
	s9 =	sadd.s32 $0x2A00, s13  }
0xe: {  	v1 =	vadd.s32 $0xF, v1;
	s10 =	sadd.s32 $0x1E00, s13;
	s13 =	sadd.s32 $0x10, s12;
	s14 =	smax.u32 s31, $0x1  }
.LBB2_16:
0xf: {  	[hbm4b:s12+s23] =	stream.strided.scatter [tilespmem:s25], [sflag:$0x1], $0x1000, s24, s23, $0x38;
	[tilespmem:$0x4600] =	vst v63  }
0x10: {  	s28 =	sadd.s32 $0x1, s28;
	_ =	swait.ge [sflag:s15], $0x1000  }
0x11: {  	p0 =	sne.s32 s28, s14;
	[sflag:s15] =	ssyncset.done $0x0  }
.Ltmp1:
0x12: {  	[sflag:s15] =	ssyncadd.s32 $0xFFFFF000;
	(pc) =	sbr.rel @!p0 .LBB2_17-.Ltmp1, $4  }
0x13: {  	[hbm4b:s13+s23] =	stream.strided.scatter [tilespmem:s26], [sflag:$0x1], $0x1000, s24, s23, $0x38;
	[tilespmem:$0x4600] =	vst v63  }
0x14: {  	_ =	swait.ge [sflag:s15], $0x1000  }
0x15: {  	[sflag:s15] =	ssyncset.done $0x0  }
0x16: {  	[sflag:s15] =	ssyncadd.s32 $0xFFFFF000  }
.LBB2_1:
0x17: {  	[tilespmem:s2], [sflag:$0x1] =	stream.linear.gather [hbm4b:s3+s2], $0x1080, $0x38;
	[tilespmem:$0x4600] =	vst v63  }
0x18: {  	_ =	swait.ge [sflag:s15], $0x1080  }
0x19: {  	[sflag:s15] =	ssyncset.done $0x0  }
0x1a: {  	s0 =	simm.s32 $0x1080;
	[sflag:s15] =	ssyncadd.s32 $0xFFFFEF80  }
0x1b: {  	[tilespmem:s0], [sflag:$0x1] =	stream.linear.gather [hbm4b:s4+s2], $0x1080, $0x38;
	[tilespmem:$0x4600] =	vst v63  }
0x1c: {  	_ =	swait.ge [sflag:s15], $0x1080  }
0x1d: {  	[sflag:s15] =	ssyncset.done $0x0  }
0x1e: {  	s19 =	simm.s32 $0x2500;
	[sflag:s15] =	ssyncadd.s32 $0xFFFFEF80  }
0x1f: {  	[tilespmem:s19], [sflag:$0x1] =	stream.linear.gather [hbm4b:s5+s2], $0x80, $0x38;
	[tilespmem:$0x4600] =	vst v63  }
0x20: {  	_ =	swait.ge [sflag:s15], $0x80  }
0x21: {  	[sflag:s15] =	ssyncset.done $0x0  }
0x22: {  	s20 =	simm.s32 $0x2580;
	[sflag:s15] =	ssyncadd.s32 $0xFFFFFF80  }
0x23: {  	[tilespmem:s20], [sflag:$0x1] =	stream.linear.gather [hbm4b:s6+s2], $0x80, $0x38;
	[tilespmem:$0x4600] =	vst v63  }
0x24: {  	_ =	swait.ge [sflag:s15], $0x80  }
0x25: {  	[sflag:s15] =	ssyncset.done $0x0  }
0x26: {  	s21 =	simm.s32 $0x2100;
	[sflag:s15] =	ssyncadd.s32 $0xFFFFFF80  }
0x27: {  	[tilespmem:s21], [sflag:$0x1] =	stream.linear.gather [hbm4b:s8+s2], $0x100, $0x38;
	[tilespmem:$0x4600] =	vst v63  }
0x28: {  	_ =	swait.ge [sflag:s15], $0x100  }
0x29: {  	[sflag:s15] =	ssyncset.done $0x0  }
0x2a: {  	s22 =	simm.s32 $0x2200;
	[sflag:s15] =	ssyncadd.s32 $0xFFFFFF00  }
0x2b: {  	[tilespmem:s22], [sflag:$0x1] =	stream.linear.gather [hbm4b:s9+s2], $0x100, $0x38;
	[tilespmem:$0x4600] =	vst v63  }
0x2c: {  	_ =	swait.ge [sflag:s15], $0x100  }
0x2d: {  	[sflag:s15] =	ssyncset.done $0x0  }
0x2e: {  	s30 =	simm.s32 $0x2300;
	[sflag:s15] =	ssyncadd.s32 $0xFFFFFF00  }
0x2f: {  	[tilespmem:s30], [sflag:$0x1] =	stream.linear.gather [hbm4b:s10+s2], $0x100, $0x38;
	[tilespmem:$0x4600] =	vst v63  }
0x30: {  	_ =	swait.ge [sflag:s15], $0x100  }
0x31: {  	[sflag:s15] =	ssyncset.done $0x0  }
0x32: {  	s31 =	simm.s32 $0x2400;
	[sflag:s15] =	ssyncadd.s32 $0xFFFFFF00  }
0x33: {  	[tilespmem:s31], [sflag:$0x1] =	stream.linear.gather [hbm4b:s11+s2], $0x100, $0x38;
	[tilespmem:$0x4600] =	vst v63  }
.Ltmp2:
0x34: {  	_ =	swait.ge [sflag:s15], $0x100;
	(pc) =	sbr.rel .LBB2_2-.Ltmp2, $4  }
0x35: {  	[sflag:s15] =	ssyncset.done $0x0  }
0x36: {  	[sflag:s15] =	ssyncadd.s32 $0xFFFFFF00  }
0x37: {  	v2 =	vld [tilespmem:$0x2500]  }
0x38: {  	s29 =	simm.s32 $0x0;
	v3 =	vld [tilespmem:$0x2580]  }
.LBB2_3:
0x39: {  	v16 =	vimm.s32 $0x0;
	v15 =	vimm.s32 $0x0;
	v14 =	vimm.s32 $0x0  }
.LBB2_15:
0x3a: {  	v7 =	vperm.xlane v4, v7  }
0x3b: {  	v8 =	vperm.xlane v4, v8  }
0x3c: {  	v6 =	vperm.xlane v4, v6;
	v4 =	vperm.xlane v4, v5;
	v12 =	vsub.s32 v12, v7  }
0x3d: {  	v57 =	vsub.s32 v11, v8;
	v17 =	vsub.s32 v0, v12  }
0x3e: {  	v60 =	vsub.s32 v10, v6;
	v61 =	vsub.s32 v9, v4;
	vm0 =	vlt.s32 v17, v7  }
0x3f: {  	vm9 =	vlt.s32 v0, v12;
	v59 =	vsub.s32 v0, v57;
	v58 =	vsel vm0, v17, v0  }
0x40: {  	s0 =	sshll.u32 s29, $0x6;
	s1 =	sor.u32 s7, s30;
	vm11 =	vlt.s32 v0, v57;
	vm10 =	vlt.s32 v59, v8;
	v5 =	vsel vm9, v13, v58  }
0x41: {  	s16 =	sor.u32 $0x1, s30;
	v10 =	vsub.s32 v0, v60;
	v8 =	vsel vm10, v59, v0;
	[tilespmem:s0+$0x2600] =	vst v5;
	v5 =	vmov s1  }
0x42: {  	s29 =	sadd.s32 $0x1, s29;
	s19 =	sor.u32 s7, s16;
	s20 =	sshll.u32 s16, $0x4;
	vm13 =	vlt.s32 v0, v60;
	vm12 =	vlt.s32 v10, v6;
	v8 =	vsel vm11, v16, v8;
	[tilespmem:s0+$0x3600] =	vst v5  }
0x43: {  	s21 =	sor.u32 $0x2, s30;
	p0 =	sne.s32 s29, $0x40;
	v63 =	vsub.s32 v0, v61;
	v62 =	vsel vm12, v10, v0;
	v5 =	vmov s19;
	[tilespmem:s20+$0x2600] =	vst v8  }
.Ltmp3:
0x44: {  	s22 =	sshll.u32 s21, $0x4;
	vm14 =	vlt.s32 v63, v4;
	s1 =	sor.u32 s7, s21;
	[tilespmem:s20+$0x3600] =	vst v5;
	v5 =	vsel vm13, v15, v62;
	(pc) =	sbr.rel @!p0 .LBB2_16-.Ltmp3, $4  }
0x45: {  	s30 =	sor.u32 $0x3, s30;
	vm15 =	vlt.s32 v0, v61;
	v4 =	vmov s1;
	[tilespmem:s22+$0x2600] =	vst v5;
	v5 =	vsel vm14, v63, v0  }
0x46: {  	s31 =	sshll.u32 s30, $0x4;
	s1 =	sor.u32 s7, s30;
	[tilespmem:s22+$0x3600] =	vst v4;
	v4 =	vsel vm15, v14, v5  }
0x47: {  	[tilespmem:s31+$0x2600] =	vst v4;
	v4 =	vmov s1  }
0x48: {  	[tilespmem:s31+$0x3600] =	vst v4  }
.LBB2_2:
0x49: {  	s30 =	sshll.u32 s29, $0x2  }
0x4a: {  	s19 =	sand.u32 $0xF0, s30  }
0x4b: {  	v4 =	vld [tilespmem:s19+$0x2400]  }
0x4c: {  	v5 =	vld [tilespmem:s19+$0x2300];
	_ =	sdelay $0x3  }
0x4d: {  	v6 =	vperm.xlane v2, v4;
	v7 =	vperm.xlane v3, v4  }
0x4e: {  	vm0 =	vgt.s32 v5, $0x0  }
0x4f: {  	v4 =	vnsel vm0, $0x0, v6;
	v9 =	vnsel vm0, $0x0, v7  }
0x50: {  	v5 =	vsub.s32 v9, v4  }
0x51: {  	v5 =	vshll.u32 v5, $0xC  }
0x52: {  	v5 =	vadd.s32 $0xF000, v5  }
0x53: {  	s0 =	sand.u32 $0xC, s30;
	v5 =	vand.u32 $0xFFFF0000, v5  }
0x54: {  	v7 =	vmov s0;
	v10 =	vor.u32 v4, v5  }
0x55: {  	v8 =	vor.u32 $0x1, v7;
	v5 =	vperm.xlane v10, v7  }
0x56: {  	v6 =	vor.u32 $0x2, v7;
	v11 =	vperm.xlane v10, v8  }
0x57: {  	v12 =	vperm.xlane v10, v6;
	(v2sf) =	vpush v5, $0x0;
	v5 =	vor.u32 $0x3, v7  }
0x58: {  	(v2sf) =	vpush v11, $0x0;
	v10 =	vperm.xlane v10, v5  }
0x59: {  	(v2sf) =	vpush v12, $0x0  }
0x5a: {  	(v2sf) =	vpush v10, $0x0;
	_ =	sdelay $0xb  }
0x5b: {  	s0 =	spop (v2sf)  }
0x5c: {  	s16 =	spop (v2sf)  }
0x5d: {  	s1 =	sshrl.u32 s0, $0x10;
	s17 =	spop (v2sf);
	s20 =	sshrl.u32 s16, $0x10  }
0x5e: {  	s31 =	sshrl.u32 s17, $0x10;
	s18 =	spop (v2sf);
	s1 =	smax.u32 s1, s20  }
0x5f: {  	s22 =	sshrl.u32 s18, $0x10;
	s1 =	smax.u32 s1, s31  }
0x60: {  	s1 =	smax.u32 s1, s22  }
0x61: {  	p0 =	seq.s32 s1, $0x0  }
.Ltmp4:
0x62: {  	_ = 	snop;
	(pc) =	sbr.rel @p0 .LBB2_3-.Ltmp4, $3  }
0x63: {  	_ =	sdelay $0x1  }
0x64: {  	v14 =	vld [tilespmem:s19+$0x2100];
	v11 =	vperm.xlane v9, v8;
	v12 =	vperm.xlane v9, v7  }
0x65: {  	v13 =	vimm.s32 $0x0;
	v15 =	vld [tilespmem:s19+$0x2200];
	v10 =	vperm.xlane v9, v6;
	v9 =	vperm.xlane v9, v5  }
0x66: {  	s19 =	sand.u32 $0xFFFF, s17  }
0x67: {  	s18 =	sand.u32 $0xFFFF, s18;
	p0 =	slt.s32 s19, $0x1000;
	s17 =	smov.u32 s19  }
0x68: {  	p1 =	slt.s32 s18, $0x1000;
	s20 =	smov.u32 s18;
	s17 =	simm.s32 @!p0 $0x1000  }
0x69: {  	s20 =	simm.s32 @!p1 $0x1000;
	v24 =	vld [tilespmem:s17+$0x1080]  }
0x6a: {  	s31 =	sand.u32 $0xFFFF, s0;
	v25 =	vld [tilespmem:s20+$0x1080]  }
0x6b: {  	s0 =	smov.u32 s31;
	p0 =	slt.s32 s31, $0x1000;
	v26 =	vld [tilespmem:s20+$0x0]  }
0x6c: {  	s0 =	simm.s32 @!p0 $0x1000;
	v27 =	vld [tilespmem:s17+$0x0]  }
0x6d: {  	v16 =	vperm.xlane v14, v7;
	v28 =	vld [tilespmem:s0+$0x1080]  }
0x6e: {  	s21 =	sand.u32 $0xFFFF, s16;
	v18 =	vperm.xlane v14, v8;
	v21 =	vperm.xlane v14, v5;
	v29 =	vld [tilespmem:s0+$0x0]  }
0x6f: {  	s16 =	smov.u32 s21;
	p0 =	slt.s32 s21, $0x1000;
	v23 =	vperm.xlane v14, v6;
	v20 =	vperm.xlane v15, v6  }
0x70: {  	v17 =	vperm.xlane v15, v7;
	v22 =	vperm.xlane v15, v5;
	s16 =	simm.s32 @!p0 $0x1000  }
0x71: {  	v19 =	vperm.xlane v15, v8;
	v30 =	vld [tilespmem:s16+$0x1080];
	v15 =	vsub.f32 v24, v20;
	v24 =	vsub.f32 v26, v21  }
0x72: {  	v14 =	vimm.f32 $1.000000020e+30;
	v32 =	vld [tilespmem:s16+$0x0];
	v25 =	vsub.f32 v25, v22;
	v26 =	vsub.f32 v27, v23  }
0x73: {  	p3 =	sne.s32 s1, $0x1;
	v31 =	vadd.s32 s16, v0;
	v27 =	vsub.f32 v28, v17;
	v29 =	vsub.f32 v29, v16  }
.Ltmp5:
0x74: {  	v28 =	vadd.s32 s20, v0;
	v34 =	vmul.f32 v24, v24;
	v25 =	vmul.f32 v25, v25;
	(pc) =	sbr.rel @!p3 .LBB2_5-.Ltmp5, $4  }
0x75: {  	v33 =	vmul.f32 v15, v15;
	v15 =	vadd.s32 s17, v0;
	v26 =	vmul.f32 v26, v26  }
0x76: {  	p2 =	por $0x0, $0x0;
	s22 =	sadd.s32 $0x10, s21;
	v24 =	vmul.f32 v27, v27;
	v27 =	vsub.f32 v30, v19;
	v25 =	vadd.f32 v25, v34  }
0x77: {  	s19 =	sadd.s32 $0x10, s19;
	p1 =	por $0x0, $0x0;
	p0 =	por $0x0, $0x0;
	v37 =	vsub.f32 v32, v18;
	vm0 =	vlt.s32 v28, v9;
	v30 =	vmul.f32 v29, v29  }
0x78: {  	s16 =	sadd.s32 $0xFFFFFFFF, s1;
	s20 =	sadd.s32 $0x10, s31;
	s31 =	sadd.s32 $0x10, s18;
	v36 =	vadd.f32 v33, v26;
	v35 =	vmul.f32 v27, v27;
	v34 =	vnsel vm0, $0x7149F2CA, v25  }
0x79: {  	p0 =	slt.s32 s19, $0x1000;
	s18 =	smov.u32 s19  }
0x7a: {  	p3 =	slt.s32 s31, $0x1000;
	s21 =	smov.u32 s31;
	s18 =	simm.s32 @!p0 $0x1000  }
0x7b: {  	s21 =	simm.s32 @!p3 $0x1000;
	v25 =	vld [tilespmem:s18+$0x1080]  }
0x7c: {  	v26 =	vld [tilespmem:s21+$0x1080]  }
0x7d: {  	s1 =	smov.u32 s20;
	p0 =	slt.s32 s20, $0x1000;
	v29 =	vld [tilespmem:s21+$0x0]  }
0x7e: {  	s1 =	simm.s32 @!p0 $0x1000;
	v33 =	vld [tilespmem:s18+$0x0]  }
0x7f: {  	v27 =	vmul.f32 v37, v37;
	vm0 =	vlt.s32 v15, v10;
	s17 =	smov.u32 s22;
	p0 =	slt.s32 s22, $0x1000;
	v61 =	vld [tilespmem:s1+$0x1080]  }
0x80: {  	vm1 =	vlt.s32 v31, v11;
	v24 =	vadd.f32 v24, v30;
	v62 =	vadd.s32 s0, v0;
	s17 =	simm.s32 @!p0 $0x1000;
	v30 =	vld [tilespmem:s1+$0x0]  }
0x81: {  	(xrf1) =	vsort.ascd.msk.f32 $0xffff, v34, v28;
	v36 =	vnsel vm0, $0x7149F2CA, v36;
	vm14 =	vlt.s32 v62, v12;
	v27 =	vadd.f32 v35, v27;
	v28 =	vld [tilespmem:s17+$0x1080]  }
0x82: {  	v38 =	vnsel vm14, $0x7149F2CA, v24;
	(xrf1) =	vsort.ascd.msk.f32 $0xffff, v36, v15;
	v15 =	vadd.s32 s18, v0;
	v63 =	vld [tilespmem:s17+$0x0];
	v25 =	vsub.f32 v25, v20  }
0x83: {  	v27 =	vnsel vm1, $0x7149F2CA, v27;
	v29 =	vsub.f32 v29, v21;
	v26 =	vsub.f32 v26, v22  }
0x84: {  	p3 =	sne.s32 s16, $0x1;
	v32 =	vadd.s32 s17, v0;
	(xrf1) =	vsort.ascd.msk.f32 $0xffff, v27, v31;
	v33 =	vsub.f32 v33, v23;
	v24 =	vsub.f32 v61, v17  }
.Ltmp6:
0x85: {  	v30 =	vsub.f32 v30, v16;
	v29 =	vmul.f32 v29, v29;
	v26 =	vmul.f32 v26, v26;
	(pc) =	sbr.rel @!p3 .LBB2_7-.Ltmp6, $4  }
0x86: {  	v25 =	vmul.f32 v25, v25;
	v33 =	vmul.f32 v33, v33;
	v27 =	vsub.f32 v28, v19  }
0x87: {  	v28 =	vadd.s32 s21, v0;
	v37 =	vsub.f32 v63, v18;
	v26 =	vadd.f32 v26, v29  }
0x88: {  	s19 =	sadd.s32 $0x10, s19;
	s31 =	sadd.s32 $0x10, s31;
	s16 =	sadd.s32 $0xFFFFFFFF, s16;
	v24 =	vmul.f32 v24, v24;
	v30 =	vmul.f32 v30, v30;
	vm15 =	vlt.s32 v28, v9  }
0x89: {  	s18 =	sadd.s32 $0x10, s22;
	p0 =	por $0x1, $0x1;
	s17 =	sadd.s32 $0x10, s20;
	(xrf1) =	vsort.ascd.msk.f32 $0xffff, v38, v62;
	v35 =	vmul.f32 v27, v27;
	v36 =	vadd.f32 v25, v33;
	v34 =	vnsel vm15, $0x7149F2CA, v26  }
0x8a: {  	_ =	sdelay $0x1  }
0x8b: {  	p1 =	slt.s32 s19, $0x1000;
	s20 =	smov.u32 s19  }
0x8c: {  	p3 =	slt.s32 s31, $0x1000;
	s21 =	smov.u32 s31;
	s20 =	simm.s32 @!p1 $0x1000  }
0x8d: {  	s21 =	simm.s32 @!p3 $0x1000;
	v29 =	vld [tilespmem:s20+$0x1080]  }
0x8e: {  	v25 =	vmul.f32 v37, v37;
	s0 =	smov.u32 s17;
	p1 =	slt.s32 s17, $0x1000;
	v33 =	vld [tilespmem:s21+$0x0];
	v26, v27, _ =	vpop (xrf1)  }
0x8f: {  	vm0 =	vlt.s32 v15, v10;
	s22 =	smov.u32 s18;
	v24 =	vadd.f32 v24, v30;
	p3 =	slt.s32 s18, $0x1000;
	s0 =	simm.s32 @!p1 $0x1000;
	v56 =	vld [tilespmem:s20+$0x0];
	v27 =	vperm.xlane v27, v1  }
0x90: {  	v58 =	vadd.s32 s1, v0;
	s22 =	simm.s32 @!p3 $0x1000;
	v25 =	vadd.f32 v35, v25;
	v38 =	vld [tilespmem:s0+$0x1080];
	v26 =	vperm.xlane v26, v1  }
0x91: {  	vm1 =	vlt.s32 v32, v11;
	v36 =	vnsel vm0, $0x7149F2CA, v36;
	vm13 =	vlt.s32 v58, v12;
	v59 =	vld [tilespmem:s22+$0x0]  }
0x92: {  	v39 =	vld [tilespmem:s21+$0x1080];
	v42 =	vnsel vm13, $0x7149F2CA, v24;
	v40 =	vnsel vm1, $0x7149F2CA, v25;
	(xrf1) =	vsort.ascd.msk.f32 $0xffff, v34, v28;
	v30, v57, _ =	vpop (xrf1);
	vm12 =	vle.f32 v14, v26  }
0x93: {  	v29 =	vsub.f32 v29, v20;
	v25 =	vsel vm12, v14, v26;
	v26 =	vsel vm12, v13, v27;
	v27, v28, _ =	vpop (xrf1)  }
0x94: {  	v33 =	vsub.f32 v33, v21;
	v35 =	vsub.f32 v56, v23;
	v41 =	vperm.xlane v28, v1;
	v28 =	vld [tilespmem:s0+$0x0]  }
0x95: {  	v31 =	vadd.s32 s22, v0;
	v24 =	vsub.f32 v38, v17;
	(xrf1) =	vsort.ascd.msk.f32 $0xffff, v25, v26;
	v25 =	vperm.xlane v30, v1;
	v30 =	vld [tilespmem:s22+$0x1080]  }
0x96: {  	v37 =	vsub.f32 v59, v18;
	v61 =	vmul.f32 v29, v29;
	v43 =	vmul.f32 v35, v35  }
0x97: {  	v33 =	vmul.f32 v33, v33;
	v60 =	vperm.xlane v27, v1;
	v27 =	vsub.f32 v39, v22  }
0x98: {  	p3 =	sne.s32 s16, $0x1;
	v26 =	vperm.xlane v57, v1;
	v24 =	vmul.f32 v24, v24;
	(xrf1) =	vsort.ascd.msk.f32 $0xffff, v36, v15;
	v15 =	vadd.s32 s20, v0  }
.Ltmp7:
0x99: {  	v36 =	vadd.f32 v61, v43;
	v29, v62, _ =	vpop (xrf1);
	v44 =	vmul.f32 v27, v27;
	v28 =	vsub.f32 v28, v16;
	(pc) =	sbr.rel @!p3 .LBB2_9-.Ltmp7, $4  }
0x9a: {  	vm14 =	vle.f32 v14, v60;
	v27 =	vperm.xlane v62, v1;
	v63 =	vsub.f32 v30, v19  }
0x9b: {  	(xrf1) =	vsort.ascd.msk.f32 $0xffff, v40, v32;
	v33 =	vadd.f32 v44, v33;
	v30 =	vmul.f32 v28, v28;
	v28 =	vadd.s32 s21, v0  }
0x9c: {  	s1 =	sadd.s32 $0xFFFFFFFF, s16;
	s17 =	sadd.s32 $0x10, s17;
	s16 =	sadd.s32 $0x10, s18;
	v29 =	vperm.xlane v29, v1;
	v32 =	vsel vm14, v14, v60;
	vm15 =	vlt.s32 v28, v9  }
0x9d: {  	s18 =	sadd.s32 $0x10, s19;
	s19 =	sadd.s32 $0x10, s31;
	p1 =	por $0x1, $0x1;
	(xrf1) =	vsort.ascd.msk.f32 $0xffff, v42, v58;
	v35 =	vmul.f32 v63, v63;
	v34 =	vnsel vm15, $0x7149F2CA, v33;
	v33 =	vsel vm14, v13, v41  }
0x9e: {  	p2 =	slt.s32 s18, $0x1000;
	s21 =	smov.u32 s18  }
0x9f: {  	p3 =	slt.s32 s19, $0x1000;
	s20 =	smov.u32 s19;
	s21 =	simm.s32 @!p2 $0x1000  }
0xa0: {  	vm1 =	vle.f32 v14, v29;
	s20 =	simm.s32 @!p3 $0x1000;
	v42 =	vld [tilespmem:s21+$0x1080]  }
0xa1: {  	v37 =	vmul.f32 v37, v37;
	v41 =	vsel vm1, v14, v29;
	v43 =	vld [tilespmem:s20+$0x0]  }
0xa2: {  	(xrf1) =	vsort.ascd.msk.f32 $0xffff, v32, v33;
	vm11 =	vle.f32 v14, v25;
	s31 =	smov.u32 s17;
	v40 =	vsel vm1, v13, v27;
	p2 =	slt.s32 s17, $0x1000;
	v46 =	vld [tilespmem:s21+$0x0]  }
0xa3: {  	vm0 =	vlt.s32 v15, v10;
	vm2 =	vlt.s32 v31, v11;
	s22 =	smov.u32 s16;
	p3 =	slt.s32 s16, $0x1000;
	v57 =	vsel vm11, v14, v25;
	v38, v39, _ =	vpop (xrf1);
	s31 =	simm.s32 @!p2 $0x1000;
	v48 =	vld [tilespmem:s20+$0x1080]  }
0xa4: {  	v45 =	vsel vm11, v13, v26;
	(xrf1) =	vsort.ascd.msk.f32 $0xffff, v41, v40;
	s22 =	simm.s32 @!p3 $0x1000;
	v56 =	vperm.xlane v38, v1;
	v58 =	vld [tilespmem:s31+$0x1080]  }
0xa5: {  	v24 =	vadd.f32 v24, v30;
	v36 =	vnsel vm0, $0x7149F2CA, v36;
	v35 =	vadd.f32 v35, v37;
	(xrf1) =	vsort.ascd.msk.f32 $0xffff, v57, v45;
	v63 =	vld [tilespmem:s22+$0x0];
	v40, v41, _ =	vpop (xrf1)  }
0xa6: {  	v44 =	vperm.xlane v39, v1;
	(xrf1) =	vsort.ascd.msk.f32 $0xffff, v34, v28;
	v34 =	vadd.s32 s0, v0;
	vm12 =	vle.f32 v40, v56  }
0xa7: {  	vm13 =	vlt.s32 v34, v12;
	v28 =	vsel vm12, v40, v56;
	v62 =	vsub.f32 v42, v20  }
0xa8: {  	v59 =	vsel vm12, v41, v44;
	v53 =	vsub.f32 v43, v21;
	v54 =	vsub.f32 v46, v23  }
0xa9: {  	v55 =	vnsel vm13, $0x7149F2CA, v24;
	v30, v47, _ =	vpop (xrf1);
	(xrf1) =	vsort.ascd.msk.f32 $0xffff, v28, v59;
	v28 =	vld [tilespmem:s31+$0x0];
	v24 =	vsub.f32 v58, v17;
	v58 =	vsub.f32 v48, v22  }
0xaa: {  	v37 =	vsub.f32 v63, v18;
	v38 =	vperm.xlane v30, v1;
	v30 =	vld [tilespmem:s22+$0x1080];
	v40 =	vperm.xlane v47, v1  }
0xab: {  	v35 =	vnsel vm2, $0x7149F2CA, v35;
	(xrf1) =	vsort.ascd.msk.f32 $0xffff, v36, v15;
	v57 =	vmul.f32 v62, v62;
	v43 =	vmul.f32 v54, v54  }
0xac: {  	v39 =	vadd.s32 s22, v0;
	v24 =	vmul.f32 v24, v24;
	v51 =	vmul.f32 v58, v58;
	v61, v60, _ =	vpop (xrf1);
	(xrf1) =	vsort.ascd.msk.f32 $0xffff, v35, v31  }
0xad: {  	p3 =	sne.s32 s1, $0x1;
	v36 =	vadd.f32 v57, v43;
	v49 =	vperm.xlane v60, v1;
	v56 =	vperm.xlane v61, v1  }
.Ltmp8:
0xae: {  	v15 =	vadd.s32 s21, v0;
	v61 =	vmul.f32 v53, v53;
	v60, v59, _ =	vpop (xrf1);
	v28 =	vsub.f32 v28, v16;
	(xrf1) =	vsort.ascd.msk.f32 $0xffff, v55, v34;
	(pc) =	sbr.rel @!p3 .LBB2_11-.Ltmp8, $4  }
0xaf: {  	v50 =	vsub.f32 v30, v19;
	v42 =	vperm.xlane v59, v1;
	v41 =	vperm.xlane v60, v1  }
0xb0: {  	v63, v62, _ =	vpop (xrf1);
	v31 =	vadd.f32 v51, v61;
	v30 =	vmul.f32 v28, v28;
	v28 =	vadd.s32 s20, v0  }
0xb1: {  	p2 =	por $0x1, $0x1;
	s0 =	sadd.s32 $0xFFFFFFFF, s1;
	s1 =	sadd.s32 $0x10, s16;
	vm14 =	vle.f32 v63, v56;
	v35 =	vmul.f32 v50, v50;
	vm15 =	vlt.s32 v28, v9  }
0xb2: {  	s16 =	sadd.s32 $0x10, s17;
	s20 =	sadd.s32 $0x10, s18;
	s18 =	sadd.s32 $0x10, s19;
	v44 =	vsel vm14, v63, v56;
	v46 =	vsel vm14, v62, v49;
	v43, v45, _ =	vpop (xrf1);
	v34 =	vnsel vm15, $0x7149F2CA, v31  }
.LBB2_12:
0xb3: {  	p4 =	slt.s32 s16, $0x1000  }
0xb4: {  	p5 =	slt.s32 s20, $0x1000;
	p3 =	slt.s32 s18, $0x1000;
	s21 =	smov.u32 s16  }
0xb5: {  	v31 =	vmul.f32 v37, v37;
	vm0 =	vlt.s32 v15, v10;
	vm1 =	vle.f32 v43, v41;
	v37, v47, _ =	vpop (xrf1);
	s17 =	smov.u32 s20;
	s22 =	smov.u32 s1;
	s19 =	smov.u32 s18  }
0xb6: {  	vm2 =	vlt.s32 v39, v11;
	s21 =	simm.s32 @!p4 $0x1000;
	p4 =	slt.s32 s1, $0x1000;
	s17 =	simm.s32 @!p5 $0x1000;
	v36 =	vnsel vm0, $0x7149F2CA, v36;
	v48, v49, _ =	vpop (xrf1);
	vm0 =	vle.f32 v37, v38;
	(xrf1) =	vsort.ascd.msk.f32 $0xffff, v44, v46  }
0xb7: {  	s19 =	simm.s32 @!p3 $0x1000;
	p3 =	sne.s32 s0, $0x1;
	s22 =	simm.s32 @!p4 $0x1000;
	v44 =	vld [tilespmem:s17+$0x1080];
	v31 =	vadd.f32 v35, v31;
	v35 =	vsel vm1, v45, v42;
	v37 =	vsel vm0, v37, v38;
	v38, v42, _ =	vpop (xrf1)  }
0xb8: {  	s0 =	sadd.s32 $0xFFFFFFFF, s0;
	v50 =	vsel vm1, v43, v41;
	v46 =	vperm.xlane v48, v1;
	v48 =	vperm.xlane v49, v1;
	v45 =	vld [tilespmem:s19+$0x1080]  }
0xb9: {  	v40 =	vsel vm0, v47, v40;
	v43 =	vadd.s32 s22, v0;
	v49 =	vld [tilespmem:s19+$0x0];
	v31 =	vnsel vm2, $0x7149F2CA, v31;
	(xrf1) =	vsort.ascd.msk.f32 $0xffff, v50, v35  }
0xba: {  	v24 =	vadd.f32 v24, v30;
	vm0 =	vle.f32 v38, v46;
	v35 =	vld [tilespmem:s17+$0x0];
	v30, v41, _ =	vpop (xrf1);
	(xrf1) =	vsort.ascd.msk.f32 $0xffff, v37, v40  }
0xbb: {  	v37 =	vld [tilespmem:s21+$0x1080];
	(xrf1) =	vsort.ascd.msk.f32 $0xffff, v34, v28;
	v28 =	vsel vm0, v38, v46;
	v34 =	vsel vm0, v42, v48;
	v42, v38, _ =	vpop (xrf1)  }
0xbc: {  	v46 =	vld [tilespmem:s22+$0x1080];
	v47 =	vperm.xlane v38, v1;
	v48, v50, _ =	vpop (xrf1);
	(xrf1) =	vsort.ascd.msk.f32 $0xffff, v28, v34  }
0xbd: {  	v40 =	vperm.xlane v41, v1;
	v34 =	vadd.s32 s31, v0;
	v38 =	vperm.xlane v30, v1;
	s31 =	smov.u32 s21;
	v28 =	vld [tilespmem:s21+$0x0]  }
0xbe: {  	v30 =	vsub.f32 v44, v20;
	vm0 =	vlt.s32 v34, v12;
	v41 =	vld [tilespmem:s22+$0x0];
	v44 =	vsub.f32 v49, v21  }
0xbf: {  	v24 =	vnsel vm0, $0x7149F2CA, v24;
	v35 =	vsub.f32 v35, v23;
	(xrf1) =	vsort.ascd.msk.f32 $0xffff, v36, v15;
	v36 =	vperm.xlane v42, v1  }
0xc0: {  	v49 =	vmul.f32 v30, v30;
	v37 =	vsub.f32 v37, v17;
	(xrf1) =	vsort.ascd.msk.f32 $0xffff, v31, v39;
	v39 =	vmov v43  }
0xc1: {  	v30 =	vsub.f32 v45, v22;
	v15 =	vadd.s32 s17, v0;
	v31 =	vmul.f32 v35, v35;
	(xrf1) =	vsort.ascd.msk.f32 $0xffff, v24, v34  }
0xc2: {  	v34 =	vmul.f32 v44, v44;
	v28 =	vsub.f32 v28, v16;
	v24 =	vmul.f32 v37, v37  }
.Ltmp9:
0xc3: {  	v42 =	vperm.xlane v50, v1;
	v43 =	vmul.f32 v30, v30;
	v35 =	vsub.f32 v46, v19;
	(pc) =	sbr.rel @p3 .LBB2_12-.Ltmp9, $4  }
0xc4: {  	v37 =	vsub.f32 v41, v18;
	v41 =	vperm.xlane v48, v1;
	v30 =	vmul.f32 v28, v28;
	v44, v45, _ =	vpop (xrf1)  }
0xc5: {  	v34 =	vadd.f32 v43, v34;
	v28 =	vadd.s32 s19, v0;
	vm0 =	vle.f32 v44, v36  }
0xc6: {  	s1 =	sadd.s32 $0x10, s1;
	v35 =	vmul.f32 v35, v35;
	vm1 =	vlt.s32 v28, v9;
	v44 =	vsel vm0, v44, v36  }
0xc7: {  	s16 =	sadd.s32 $0x10, s16;
	s20 =	sadd.s32 $0x10, s20;
	s18 =	sadd.s32 $0x10, s18;
	v36 =	vadd.f32 v49, v31;
	v34 =	vnsel vm1, $0x7149F2CA, v34;
	v46 =	vsel vm0, v45, v47;
	v43, v45, _ =	vpop (xrf1)  }
0xc8: {  	v31 =	vmov v39;
	s0 =	smov.u32 s31  }
.LBB2_14:
0xc9: {  	vm0 =	vle.f32 @p1 v43, v41;
	v16, v17, _ =	vpop @p2 (xrf1)  }
0xca: {  	(xrf1) =	vsort.ascd.msk.f32 @p1 $0xffff, v44, v46;
	v16 =	vpsel p2, v16, v14;
	v18 =	vsel @p1 vm0, v45, v42  }
0xcb: {  	v19 =	vsel @p1 vm0, v43, v41;
	v17 =	vpsel p2, v17, v13;
	vm0 =	vle.f32 @p1 v16, v38  }
0xcc: {  	v17 =	vsel @p1 vm0, v17, v40  }
0xcd: {  	v16 =	vsel @p1 vm0, v16, v38  }
0xce: {  	(xrf1) =	vsort.ascd.msk.f32 @p1 $0xffff, v19, v18;
	_ =	sdelay $0x1  }
0xcf: {  	(xrf1) =	vsort.ascd.msk.f32 @p1 $0xffff, v16, v17;
	v16, v17, _ =	vpop @p0 (xrf1)  }
0xd0: {  	v18 =	vmul.f32 v37, v37;
	v19, v20, _ =	vpop @p1 (xrf1);
	v16 =	vperm.xlane @p0 v16, v1  }
0xd1: {  	vm1 =	vlt.s32 v31, v11;
	v17 =	vperm.xlane @p0 v17, v1;
	v19 =	vpsel p1, v19, v14  }
0xd2: {  	v18 =	vadd.f32 v35, v18;
	v20 =	vpsel p1, v20, v13;
	vm2 =	vle.f32 @p0 v19, v16  }
0xd3: {  	v21, v22, _ =	vpop @p0 (xrf1);
	(xrf1) =	vsort.ascd.msk.f32 $0xffff, v34, v28;
	v16 =	vsel @p0 vm2, v19, v16;
	v17 =	vsel @p0 vm2, v20, v17  }
0xd4: {  	vm10 =	vlt.s32 v15, v10;
	v60 =	vadd.f32 v24, v30;
	v23, v24, _ =	vpop @p0 (xrf1);
	(xrf1) =	vsort.ascd.msk.f32 @p0 $0xffff, v16, v17;
	v17 =	vnsel vm1, $0x7149F2CA, v18  }
0xd5: {  	v19 =	vnsel vm10, $0x7149F2CA, v36;
	v20 =	vperm.xlane @p0 v23, v1;
	v16 =	vadd.s32 s0, v0  }
0xd6: {  	v18 =	vperm.xlane @p0 v24, v1;
	v24, v28, _ =	vpop @p0 (xrf1);
	vm11 =	vlt.s32 v16, v12;
	(xrf1) =	vsort.ascd.msk.f32 $0xffff, v19, v15  }
0xd7: {  	v22 =	vperm.xlane @p0 v22, v1;
	v15 =	vperm.xlane @p0 v21, v1;
	v19 =	vnsel vm11, $0x7149F2CA, v60;
	(xrf1) =	vsort.ascd.msk.f32 $0xffff, v17, v31;
	v17, v21, _ =	vpop @p1 (xrf1)  }
0xd8: {  	(xrf1) =	vsort.ascd.msk.f32 $0xffff, v19, v16;
	v16 =	vpsel p1, v17, v14;
	v19 =	vpsel p1, v21, v13  }
0xd9: {  	v17 =	vperm.xlane @p0 v24, v1;
	v21 =	vperm.xlane @p0 v28, v1;
	vm0 =	vle.f32 @p0 v16, v20  }
0xda: {  	v22 =	vpsel p0, v22, v26;
	v15 =	vpsel p0, v15, v25;
	v16 =	vsel @p0 vm0, v16, v20  }
0xdb: {  	v18 =	vsel @p0 vm0, v19, v18;
	v17 =	vpsel p0, v17, v29;
	v21 =	vpsel p0, v21, v27;
	v19, v20, _ =	vpop @p1 (xrf1)  }
0xdc: {  	v16 =	vpsel p0, v16, v32;
	v18 =	vpsel p0, v18, v33;
	v19 =	vpsel p1, v19, v14  }
0xdd: {  	v20 =	vpsel p1, v20, v13;
	v23, v24, _ =	vpop @p1 (xrf1);
	(xrf1) =	vsort.ascd.msk.f32 @p0 $0xffff, v16, v18;
	vm0 =	vle.f32 @p0 v19, v17  }
0xde: {  	v23 =	vpsel p1, v23, v14;
	v16 =	vsel @p0 vm0, v20, v21;
	v17 =	vsel @p0 vm0, v19, v17  }
0xdf: {  	v18 =	vpsel p1, v24, v13;
	vm1 =	vle.f32 @p0 v23, v15;
	(xrf1) =	vsort.ascd.msk.f32 @p0 $0xffff, v17, v16  }
0xe0: {  	v15 =	vsel @p0 vm1, v23, v15;
	v18 =	vsel @p0 vm1, v18, v22  }
0xe1: {  	(xrf1) =	vsort.ascd.msk.f32 @p0 $0xffff, v15, v18;
	_ =	sdelay $0x2  }
0xe2: {  	v15, v16, _ =	vpop (xrf1)  }
0xe3: {  	v17, v18, _ =	vpop @p0 (xrf1);
	v15 =	vperm.xlane v15, v1  }
0xe4: {  	v16 =	vperm.xlane v16, v1;
	v17 =	vpsel p0, v17, v14;
	v18 =	vpsel p0, v18, v13  }
0xe5: {  	vm12 =	vle.f32 v17, v15  }
0xe6: {  	v19, v61, _ =	vpop (xrf1);
	v16 =	vsel vm12, v18, v16  }
0xe7: {  	v62, v63, _ =	vpop (xrf1)  }
0xe8: {  	v15 =	vsel vm12, v17, v15;
	v22 =	vperm.xlane v63, v1;
	v17, v18, _ =	vpop (xrf1)  }
0xe9: {  	v19 =	vperm.xlane v19, v1;
	(xrf1) =	vsort.ascd.msk.f32 $0xffff, v15, v16;
	v15 =	vperm.xlane v62, v1;
	v16, v21, _ =	vpop @p0 (xrf1)  }
0xea: {  	v20 =	vperm.xlane v61, v1;
	v16 =	vpsel p0, v16, v14;
	v21 =	vpsel p0, v21, v13  }
0xeb: {  	v18 =	vperm.xlane v18, v1;
	v17 =	vperm.xlane v17, v1;
	vm13 =	vle.f32 v16, v15;
	v23, v24, _ =	vpop @p0 (xrf1)  }
0xec: {  	v15 =	vsel vm13, v16, v15;
	v16 =	vsel vm13, v21, v22;
	v23 =	vpsel p0, v23, v14  }
0xed: {  	v21, v22, _ =	vpop @p0 (xrf1);
	v24 =	vpsel p0, v24, v13;
	(xrf1) =	vsort.ascd.msk.f32 $0xffff, v15, v16;
	vm14 =	vle.f32 v23, v17  }
0xee: {  	v14 =	vpsel p0, v21, v14;
	v15 =	vsel vm14, v24, v18;
	v16 =	vsel vm14, v23, v17  }
0xef: {  	v13 =	vpsel p0, v22, v13;
	vm15 =	vle.f32 v14, v19;
	(xrf1) =	vsort.ascd.msk.f32 $0xffff, v16, v15  }
0xf0: {  	v14 =	vsel vm15, v14, v19;
	v13 =	vsel vm15, v13, v20  }
0xf1: {  	(xrf1) =	vsort.ascd.msk.f32 $0xffff, v14, v13;
	_ =	sdelay $0x8  }
0xf2: {  	v13, v14, _ =	vpop (xrf1)  }
.Ltmp10:
0xf3: {  	v13, v16, _ =	vpop (xrf1);
	(pc) =	sbr.rel .LBB2_15-.Ltmp10, $3  }
0xf4: {  	_ = 	snop  }
0xf5: {  	v15, v13, _ =	vpop (xrf1);
	_ =	sdelay $0x1  }
0xf6: {  	v17, v15, _ =	vpop (xrf1)  }
.LBB2_5:
.Ltmp11:
0xf7: {  	(pc) =	sbr.rel .LBB2_14-.Ltmp11, $2  }
0xf8: {  	_ =	sdelay $0x2  }
0xf9: {  	v43 =	vimm.f32 $1.000000020e+30;
	v45 =	vimm.s32 $0x0  }
.LBB2_7:
.Ltmp12:
0xfa: {  	(pc) =	sbr.rel .LBB2_14-.Ltmp12, $2  }
0xfb: {  	_ =	sdelay $0x2  }
0xfc: {  	v43 =	vimm.f32 $1.000000020e+30;
	v31 =	vmov v32;
	v45 =	vimm.s32 $0x0;
	s0 =	smov.u32 s1  }
.LBB2_9:
.Ltmp13:
0xfd: {  	(pc) =	sbr.rel .LBB2_14-.Ltmp13, $3  }
0xfe: {  	_ =	sdelay $0x1  }
0xff: {  	v43 =	vimm.f32 $1.000000020e+30;
	v41 =	vmov v29;
	v38 =	vmov v25  }
0x100: {  	v44 =	vmovc v32;
	v46 =	vmovc v33;
	v45 =	vimm.s32 $0x0;
	v42 =	vmov v27;
	v40 =	vmov v26  }
.LBB2_11:
.Ltmp14:
0x101: {  	(pc) =	sbr.rel .LBB2_14-.Ltmp14, $2  }
0x102: {  	_ =	sdelay $0x2  }
0x103: {  	v31 =	vmov v39;
	s0 =	smov.u32 s31  }
.LBB2_17:
0x104: {  	_ =	sfence.sel $0x180000  }
0x105: {  	[bflag:$0x0] =	sbarrier.arrive $0xFFFF  }
0x106: {  	_ =	strace $0x90000047  }
0x107: {  	s0 =	stileid.u32;
	[bflag:$0x2] =	sbarrier.arrive $0xFFFF  }
0x108: {  	p0 =	sne.s32 s0, $0x0;
	s0 =	rddreg [dreg:$0x3]  }
0x109: {  	s0 =	sadd.s32 @!p0 $0x100000, s0  }
0x10a: {  	[sflag:s0] =	ssyncadd.tile.s32 @!p0 $0x1;
	_ =	shalt  }
.Lfunc_end2:
_tile_overlayer_lowered:
.L_overlay_start_2:
0x10b: {  	(tag) =	ssettag $0x2  }
0x10c: {  	s0 =	rddreg [dreg:$0x0];
	s2 =	stileid.u32  }
0x10d: {  	s1 =	rddreg [dreg:$0x1];
	p0 =	sne.s32 s2, $0x0  }
0x10e: {  	s3 =	rddreg [dreg:$0x2];
	[bflag:$0x3] =	sbarrier.arrive $0xFFFF;
	s2 =	simm.s32 @!p0 $0x1C01  }
0x10f: {  	[timem:s3], [sflag:s2] =	dma.local @!p0 [hbm:s0], s1  }
0x110: {  	s0 =	simm.s32 @!p0 $0x1  }
0x111: {  	_ =	swait.ge @!p0 [sflag:s0], s1  }
0x112: {  	s1 =	ssub.s32 @!p0 $0x0, s1;
	[sflag:s0] =	ssyncset.done @!p0 $0x0  }
0x113: {  	[sflag:s0] =	ssyncadd.s32 @!p0 s1  }
0x114: {  	[bflag:$0x3] =	sbarrier.arrive $0xFFFF  }
0x115: {  	_ =	shalt  }

</sc_bundles>
